<compile_context>
chip_gen: v7x
topology: tpu7x:2x2x1
jax: 0.10.2.dev20260603
libtpu: 0.0.44.dev20260713+nightly
codegen_flags: <defaults>
</compile_context>

<pallas_src>
import functools

import jax
import jax.numpy as jnp
from jax import lax
from jax.experimental import pallas as pl
from jax.experimental.pallas import tpu as pltpu
from jax.experimental.pallas import tpu_sc as plsc

ALPHA = 0.15
RA = 0.001 * ALPHA
THRESH = (1.0 + 0.01) * RA
C1 = 0.5 * (1.0 - ALPHA)
MAX_ITER = 30

N = 10000
NPAD = 10240
NODES_PER_TILE = 640
NVEC = NODES_PER_TILE // 16
E = 320000
NT = 16
EC = E // NT
NCH = 160
ECP = NCH * 128
CHK = 5120
NCHK = ECP // CHK
PADN0 = NPAD - 32

_f32 = jnp.float32
_i32 = jnp.int32


def _iota16():
  return lax.iota(_i32, 16)


def _ppr_body(rows_hbm, cols_hbm, seeds_hbm, out_hbm,
              rows_loc, cols_loc, gath, gath2,
              p_loc, d_loc, tmp2_loc, u2_loc, zero2_loc,
              deg_loc, g_loc, invd_loc, zero_loc,
              maxb_loc, gm_loc, seeds_loc,
              u_sh, t_sh, deg_sh, maxb_sh):
  tid = lax.axis_index("s")
  cid = lax.axis_index("c")
  base = tid * NODES_PER_TILE
  iota = _iota16()
  zeros16 = jnp.zeros((16,), _f32)
  ones16 = jnp.ones((16,), _f32)
  sidx = (jnp.zeros((16,), _i32), jnp.ones((16,), _i32))

  pltpu.sync_copy(rows_hbm.at[tid], rows_loc)
  pltpu.sync_copy(cols_hbm.at[tid], cols_loc)
  pltpu.sync_copy(seeds_hbm, seeds_loc)

  def _fz(j, _):
    zero_loc[pl.ds(j * 16, 16)] = zeros16
    nidx = iota + j * 16
    plsc.store_scatter(zero2_loc, [nidx, sidx[0]], zeros16)
    plsc.store_scatter(zero2_loc, [nidx, sidx[1]], zeros16)
    return 0
  lax.fori_loop(0, NVEC, _fz, 0)

  def _fo(r, _):
    gath[pl.ds(r * 16, 16)] = ones16
    return 0
  lax.fori_loop(0, ECP // 16, _fo, 0)

  pltpu.sync_copy(zero_loc, deg_sh.at[pl.ds(base, NODES_PER_TILE)])
  plsc.subcore_barrier()
  for k in range(NCHK):
    pltpu.sync_copy(gath.at[pl.ds(k * CHK, CHK)], deg_sh.at[rows_loc.at[k]],
                    add=True)
  plsc.subcore_barrier()
  pltpu.sync_copy(deg_sh.at[pl.ds(base, NODES_PER_TILE)], deg_loc)

  sv = seeds_loc[pl.ds(0, 16)].astype(_f32)
  seed0 = jnp.sum(jnp.where(iota == 2 * cid, sv, 0.0)).astype(_i32)
  seed1 = jnp.sum(jnp.where(iota == 2 * cid + 1, sv, 0.0)).astype(_i32)

  def _fi(j, acc):
    a0, a1 = acc
    dg = deg_loc[pl.ds(j * 16, 16)]
    g = 1.0 / (1e-12 + dg)
    invd = 1.0 / jnp.maximum(dg, 1e-12)
    g_loc[pl.ds(j * 16, 16)] = g
    invd_loc[pl.ds(j * 16, 16)] = invd
    gidx = iota + (base + j * 16)
    d0 = jnp.where(gidx == seed0, -ALPHA * invd, 0.0)
    d1 = jnp.where(gidx == seed1, -ALPHA * invd, 0.0)
    p_loc[pl.ds(j * 16, 16)] = zeros16
    p_loc[pl.ds(NODES_PER_TILE + j * 16, 16)] = zeros16
    d_loc[pl.ds(j * 16, 16)] = d0
    d_loc[pl.ds(NODES_PER_TILE + j * 16, 16)] = d1
    return (jnp.maximum(a0, jnp.abs(d0)), jnp.maximum(a1, jnp.abs(d1)))
  acc0, acc1 = lax.fori_loop(0, NVEC, _fi, (zeros16, zeros16))

  def _global_max(m0, m1):
    mv = jnp.where(iota == 0, m0, jnp.where(iota == 1, m1, 0.0))
    gm_loc[pl.ds(0, 16)] = mv
    pltpu.sync_copy(gm_loc, maxb_sh.at[tid])
    plsc.subcore_barrier()
    pltpu.sync_copy(maxb_sh, maxb_loc)
    def _fm(k, a):
      return jnp.maximum(a, maxb_loc[k, pl.ds(0, 16)])
    facc = lax.fori_loop(0, NT, _fm, zeros16)
    gm_loc[pl.ds(0, 16)] = facc

  _global_max(jnp.max(acc0), jnp.max(acc1))

  def _bodyw(it, _):
    gmv = gm_loc[pl.ds(0, 16)]
    act = (gmv[0] > THRESH, gmv[1] > THRESH)

    for s in (0, 1):
      def _fa(j, _):
        off = s * NODES_PER_TILE + j * 16
        p = p_loc[pl.ds(off, 16)]
        d = d_loc[pl.ds(off, 16)]
        sk = (p - d) >= RA
        isd = jnp.where(sk, -(d + RA), 0.0)
        nidx = iota + j * 16
        plsc.store_scatter(u2_loc, [nidx, sidx[s]],
                           isd * g_loc[pl.ds(j * 16, 16)])
        return 0
      lax.fori_loop(0, NVEC, _fa, 0)
    pltpu.sync_copy(u2_loc, u_sh.at[pl.ds(base, NODES_PER_TILE)])
    pltpu.sync_copy(zero2_loc, t_sh.at[pl.ds(base, NODES_PER_TILE)])
    plsc.subcore_barrier()

    for k in range(NCHK):
      pltpu.sync_copy(u_sh.at[cols_loc.at[k]], gath2)
      pltpu.sync_copy(gath2, t_sh.at[rows_loc.at[k]], add=True)
    plsc.subcore_barrier()

    pltpu.sync_copy(t_sh.at[pl.ds(base, NODES_PER_TILE)], tmp2_loc)
    maxes = []
    for s in (0, 1):
      def _fc(j, a):
        off = s * NODES_PER_TILE + j * 16
        p = p_loc[pl.ds(off, 16)]
        d = d_loc[pl.ds(off, 16)]
        nidx = iota + j * 16
        t = plsc.load_gather(tmp2_loc, [nidx, sidx[s]])
        invd = invd_loc[pl.ds(j * 16, 16)]
        sk = (p - d) >= RA
        isd = jnp.where(sk, -(d + RA), 0.0)
        tterm = C1 * invd * t
        d_s = (1.0 - invd) * d - RA * invd - C1 * invd * isd - tterm
        d_n = d - tterm
        dnew = jnp.where(sk, d_s, d_n)
        pnew = p + isd
        pout = jnp.where(act[s], pnew, p)
        dout = jnp.where(act[s], dnew, d)
        p_loc[pl.ds(off, 16)] = pout
        d_loc[pl.ds(off, 16)] = dout
        return jnp.maximum(a, jnp.abs(dout))
      accs = lax.fori_loop(0, NVEC, _fc, zeros16)
      maxes.append(jnp.max(accs))
    _global_max(maxes[0], maxes[1])
    return 0

  lax.fori_loop(0, MAX_ITER, _bodyw, 0)

  for s in (0, 1):
    pltpu.sync_copy(p_loc.at[pl.ds(s * NODES_PER_TILE, NODES_PER_TILE)],
                    out_hbm.at[2 * cid + s, pl.ds(base, NODES_PER_TILE)])


@jax.jit
def _ppr_call(rows3, cols3, seeds):
  mesh = plsc.VectorSubcoreMesh(core_axis_name="c", subcore_axis_name="s")
  return pl.kernel(
      _ppr_body,
      out_type=jax.ShapeDtypeStruct((4, NPAD), _f32),
      mesh=mesh,
      compiler_params=pltpu.CompilerParams(needs_layout_passes=False, use_tc_tiling_on_sc=False),
      scratch_types=[
          pltpu.VMEM((NCHK, CHK), _i32),
          pltpu.VMEM((NCHK, CHK), _i32),
          pltpu.VMEM((ECP,), _f32),
          pltpu.VMEM((CHK, 2), _f32),
          pltpu.VMEM((2 * NODES_PER_TILE,), _f32),
          pltpu.VMEM((2 * NODES_PER_TILE,), _f32),
          pltpu.VMEM((NODES_PER_TILE, 2), _f32),
          pltpu.VMEM((NODES_PER_TILE, 2), _f32),
          pltpu.VMEM((NODES_PER_TILE, 2), _f32),
          pltpu.VMEM((NODES_PER_TILE,), _f32),
          pltpu.VMEM((NODES_PER_TILE,), _f32),
          pltpu.VMEM((NODES_PER_TILE,), _f32),
          pltpu.VMEM((NODES_PER_TILE,), _f32),
          pltpu.VMEM((NT, 16), _f32),
          pltpu.VMEM((16,), _f32),
          pltpu.VMEM((16,), _i32),
          pltpu.VMEM_SHARED((NPAD, 2), _f32),
          pltpu.VMEM_SHARED((NPAD, 2), _f32),
          pltpu.VMEM_SHARED((NPAD,), _f32),
          pltpu.VMEM_SHARED((NT, 16), _f32),
      ],
  )(rows3, cols3, seeds)


def kernel(adj_row, adj_col, adj_val, seed_nodes, ul_link):
  del adj_val, ul_link
  r = adj_row.astype(_i32).reshape(NT, EC)
  c = adj_col.astype(_i32).reshape(NT, EC)
  pad = PADN0 + (jnp.arange(ECP - EC, dtype=_i32) % 32)
  pad = jnp.broadcast_to(pad, (NT, ECP - EC))
  rows3 = jnp.concatenate([r, pad], axis=1).reshape(NT, NCHK, CHK)
  cols3 = jnp.concatenate([c, pad], axis=1).reshape(NT, NCHK, CHK)
  seeds = jnp.zeros((16,), _i32).at[:4].set(seed_nodes.astype(_i32))
  out = _ppr_call(rows3, cols3, seeds)
  return out[:, :N]

# --- scband reference (transcript-rebuilt; emitter-appended) ---
"""Pipeline reference for scband-get-ppr-24154896073102 (READ-ONLY COPY).

The authoritative reference and input builder live on the scoring server;
editing this copy changes nothing except your own understanding.
"""

import jax, jax.numpy as jnp
import numpy as np

ALPHA = 0.15
EPSILON = 0.01
RHO = 0.001
MAX_ITER = 30
N_NODES = 10000
N_EDGES = 320000
N_SEEDS = 4


def setup_inputs(seed: int = 0) -> dict:
    key = jax.random.key(seed)
    k1, k2, k3, k4 = jax.random.split(key, 4)
    adj_row = jax.random.randint(k1, (N_EDGES,), 0, N_NODES, dtype=jnp.int32)
    adj_col = jax.random.randint(k2, (N_EDGES,), 0, N_NODES, dtype=jnp.int32)
    adj_val = jnp.ones((N_EDGES,), dtype=jnp.float32)
    seed_nodes = jax.random.randint(k3, (N_SEEDS,), 0, N_NODES, dtype=jnp.int32)
    ul_link = jax.random.randint(k4, (N_SEEDS, 2), 0, N_NODES, dtype=jnp.int32)
    return {"adj_row": adj_row, "adj_col": adj_col, "adj_val": adj_val,
            "seed_nodes": seed_nodes, "ul_link": ul_link}


@jax.jit
def _ista_step(p_old, d_fp_old, adj_row, adj_col, adj_val, out_deg):
    N = out_deg.shape[0]
    S_k = (p_old - d_fp_old) >= RHO * ALPHA
    Sf = S_k.astype(jnp.float32)
    # d_pk only on the active set S_k (is_d_pk dense vector, zero elsewhere)
    is_d_pk = jnp.where(S_k, -(d_fp_old + RHO * ALPHA), 0.0)
    p_new = jnp.where(S_k, p_old + is_d_pk, p_old)
    # sparse row-wise sum of is_d_pk[col]/out_degree[col] over columns in S_k,
    # with the same 1e-12 regularization as the torch code
    num = adj_val * is_d_pk[adj_col]
    den = 1e-12 + adj_val * out_deg[adj_col] * Sf[adj_col]
    contrib = num / den
    tmp_sum = jax.ops.segment_sum(contrib, adj_row, num_segments=N)
    inv_deg = 1.0 / jnp.maximum(out_deg, 1e-12)
    d_fp_S = ((1.0 - inv_deg) * d_fp_old
              - RHO * ALPHA * inv_deg
              - 0.5 * (1.0 - ALPHA) * is_d_pk * inv_deg
              - 0.5 * (1.0 - ALPHA) * inv_deg * tmp_sum)
    # neighbors of S_k that are not themselves in S_k
    has_sk_nb = jax.ops.segment_sum(Sf[adj_col], adj_row, num_segments=N) > 0
    ngbr = jnp.logical_and(jnp.logical_not(S_k), has_sk_nb)
    d_fp_ng = d_fp_old - 0.5 * (1.0 - ALPHA) * inv_deg * tmp_sum
    d_fp_new = jnp.where(S_k, d_fp_S, jnp.where(ngbr, d_fp_ng, d_fp_old))
    return p_new, d_fp_new


def reference(adj_row, adj_col, adj_val, seed_nodes, ul_link):
    adj_row = adj_row.astype(jnp.int32)
    adj_col = adj_col.astype(jnp.int32)
    out_deg = jax.ops.segment_sum(jnp.ones_like(adj_val), adj_row, num_segments=N_NODES)
    deg_inv = 1.0 / jnp.maximum(out_deg, 1e-12)
    thresh = (1.0 + EPSILON) * RHO * ALPHA
    ul_fold = jnp.float32(0.0) * jnp.sum(ul_link.astype(jnp.float32))

    def _cond(state):
        p, d_fp, it = state
        return jnp.logical_and(jnp.max(jnp.abs(d_fp)) > thresh, it < MAX_ITER)

    def _body(state):
        p, d_fp, it = state
        p2, d_fp2 = _ista_step(p, d_fp, adj_row, adj_col, adj_val, out_deg)
        return p2, d_fp2, it + 1

    pprs = []
    for i in range(N_SEEDS):
        s = seed_nodes[i]
        p = jnp.zeros((N_NODES,), jnp.float32)
        d_fp = jnp.zeros((N_NODES,), jnp.float32).at[s].set(-ALPHA * deg_inv[s] + ul_fold)
        p, d_fp, _ = jax.lax.while_loop(_cond, _body, (p, d_fp, jnp.int32(0)))
        pprs.append(p)
    return jnp.stack(pprs, axis=0)

if __name__ == "__main__":
    import jax
    _d = setup_inputs()
    print(jax.jit(kernel)(*tuple(_d.values())))

</pallas_src>

<mosaic_0001>
#map = affine_map<(d0, d1) -> (0, 0, 0)>
#map1 = affine_map<(d0, d1) -> (0)>
#map2 = affine_map<(d0, d1) -> (0, 0)>
module attributes {stable_mosaic.version = 14 : i64} {
  func.func @_ppr_body(%arg0: i32, %arg1: i32, %arg2: memref<16x4x5120xi32, #tpu.memory_space<hbm>>, %arg3: memref<16x4x5120xi32, #tpu.memory_space<hbm>>, %arg4: memref<16xi32, #tpu.memory_space<hbm>>, %arg5: memref<4x10240xf32, #tpu.memory_space<hbm>>, %arg6: memref<4x5120xi32, #tpu.memory_space<vmem>>, %arg7: memref<4x5120xi32, #tpu.memory_space<vmem>>, %arg8: memref<20480xf32, #tpu.memory_space<vmem>>, %arg9: memref<5120x2xf32, #tpu.memory_space<vmem>>, %arg10: memref<1280xf32, #tpu.memory_space<vmem>>, %arg11: memref<1280xf32, #tpu.memory_space<vmem>>, %arg12: memref<640x2xf32, #tpu.memory_space<vmem>>, %arg13: memref<640x2xf32, #tpu.memory_space<vmem>>, %arg14: memref<640x2xf32, #tpu.memory_space<vmem>>, %arg15: memref<640xf32, #tpu.memory_space<vmem>>, %arg16: memref<640xf32, #tpu.memory_space<vmem>>, %arg17: memref<640xf32, #tpu.memory_space<vmem>>, %arg18: memref<640xf32, #tpu.memory_space<vmem>>, %arg19: memref<16x16xf32, #tpu.memory_space<vmem>>, %arg20: memref<16xf32, #tpu.memory_space<vmem>>, %arg21: memref<16xi32, #tpu.memory_space<vmem>>, %arg22: memref<10240x2xf32, #tpu.memory_space<vmem_shared>>, %arg23: memref<10240x2xf32, #tpu.memory_space<vmem_shared>>, %arg24: memref<10240xf32, #tpu.memory_space<vmem_shared>>, %arg25: memref<16x16xf32, #tpu.memory_space<vmem_shared>>) attributes {dimension_semantics = [#tpu.dimension_semantics<core_parallel>, #tpu.dimension_semantics<subcore_parallel>], iteration_bounds = array<i64: 2, 16>, scalar_prefetch = 0 : i64, scratch_operands = 20 : i64, tpu.core_type = #tpu.core_type<sc_vector_subcore>, window_params = [{transform_indices = #map}, {transform_indices = #map}, {transform_indices = #map1}, {transform_indices = #map2}]} {
    %mul3A = arith.constant 640 : i32
    %mul3A_0 = arith.muli %arg1, %mul3A : i32
    %iota3A = tpu.iota {dimensions = array<i32: 0>} : vector<16xi32>
    %broadcast_in_dim3A = arith.constant 0.000000e+00 : f32
    %broadcast_in_dim3A_1 = vector.broadcast %broadcast_in_dim3A : f32 to vector<16xf32>
    %broadcast_in_dim3A_2 = arith.constant 1.000000e+00 : f32
    %broadcast_in_dim3A_3 = vector.broadcast %broadcast_in_dim3A_2 : f32 to vector<16xf32>
    %broadcast_in_dim3A_4 = arith.constant 0 : i32
    %broadcast_in_dim3A_5 = vector.broadcast %broadcast_in_dim3A_4 : i32 to vector<16xi32>
    %broadcast_in_dim3A_6 = arith.constant 1 : i32
    %broadcast_in_dim3A_7 = vector.broadcast %broadcast_in_dim3A_6 : i32 to vector<16xi32>
    "tpu.region"() ({
      %run_scoped3A_97 = tpu.sem_alloc : memref<!tpu.dma_semaphore, #tpu.memory_space<semaphore_mem>>
      %dma_start3A = arith.constant 0 : i32
      %dma_start3A_98 = arith.constant 0 : i32
      %dma_start3A_99 = tpu.memref_slice %arg2[%arg1, %dma_start3A, %dma_start3A_98] : memref<16x4x5120xi32, #tpu.memory_space<hbm>> -> memref<1x4x5120xi32, #tpu.memory_space<hbm>>
      %dma_start3A_100 = tpu.memref_squeeze %dma_start3A_99 : memref<1x4x5120xi32, #tpu.memory_space<hbm>> -> memref<4x5120xi32, #tpu.memory_space<hbm>>
      %dma_start3A_101 = arith.constant 0 : i32
      %dma_start3A_102 = arith.constant 0 : i32
      %dma_start3A_103 = tpu.memref_slice %arg2[%arg1, %dma_start3A_101, %dma_start3A_102] : memref<16x4x5120xi32, #tpu.memory_space<hbm>> -> memref<1x4x5120xi32, #tpu.memory_space<hbm>>
      %dma_start3A_104 = tpu.memref_squeeze %dma_start3A_103 : memref<1x4x5120xi32, #tpu.memory_space<hbm>> -> memref<4x5120xi32, #tpu.memory_space<hbm>>
      tpu.enqueue_dma source(%dma_start3A_104 : memref<4x5120xi32, #tpu.memory_space<hbm>>) target(%arg6 : memref<4x5120xi32, #tpu.memory_space<vmem>>) target_semaphore(%run_scoped3A_97 : memref<!tpu.dma_semaphore, #tpu.memory_space<semaphore_mem>>)
      %dma_wait3A = arith.constant 0 : i32
      %dma_wait3A_105 = arith.constant 0 : i32
      %dma_wait3A_106 = tpu.memref_slice %arg2[%arg1, %dma_wait3A, %dma_wait3A_105] : memref<16x4x5120xi32, #tpu.memory_space<hbm>> -> memref<1x4x5120xi32, #tpu.memory_space<hbm>>
      %dma_wait3A_107 = tpu.memref_squeeze %dma_wait3A_106 : memref<1x4x5120xi32, #tpu.memory_space<hbm>> -> memref<4x5120xi32, #tpu.memory_space<hbm>>
      %dma_wait3A_108 = arith.constant 0 : i32
      %dma_wait3A_109 = arith.constant 0 : i32
      %dma_wait3A_110 = tpu.memref_slice %arg2[%arg1, %dma_wait3A_108, %dma_wait3A_109] : memref<16x4x5120xi32, #tpu.memory_space<hbm>> -> memref<1x4x5120xi32, #tpu.memory_space<hbm>>
      %dma_wait3A_111 = tpu.memref_squeeze %dma_wait3A_110 : memref<1x4x5120xi32, #tpu.memory_space<hbm>> -> memref<4x5120xi32, #tpu.memory_space<hbm>>
      tpu.wait_dma2 semaphore(%run_scoped3A_97 : memref<!tpu.dma_semaphore, #tpu.memory_space<semaphore_mem>>) src(%dma_wait3A_111 : memref<4x5120xi32, #tpu.memory_space<hbm>>) dst(%arg6 : memref<4x5120xi32, #tpu.memory_space<vmem>>)
      tpu.yield
    }) : () -> ()
    "tpu.region"() ({
      %run_scoped3A_97 = tpu.sem_alloc : memref<!tpu.dma_semaphore, #tpu.memory_space<semaphore_mem>>
      %dma_start3A = arith.constant 0 : i32
      %dma_start3A_98 = arith.constant 0 : i32
      %dma_start3A_99 = tpu.memref_slice %arg3[%arg1, %dma_start3A, %dma_start3A_98] : memref<16x4x5120xi32, #tpu.memory_space<hbm>> -> memref<1x4x5120xi32, #tpu.memory_space<hbm>>
      %dma_start3A_100 = tpu.memref_squeeze %dma_start3A_99 : memref<1x4x5120xi32, #tpu.memory_space<hbm>> -> memref<4x5120xi32, #tpu.memory_space<hbm>>
      %dma_start3A_101 = arith.constant 0 : i32
      %dma_start3A_102 = arith.constant 0 : i32
      %dma_start3A_103 = tpu.memref_slice %arg3[%arg1, %dma_start3A_101, %dma_start3A_102] : memref<16x4x5120xi32, #tpu.memory_space<hbm>> -> memref<1x4x5120xi32, #tpu.memory_space<hbm>>
      %dma_start3A_104 = tpu.memref_squeeze %dma_start3A_103 : memref<1x4x5120xi32, #tpu.memory_space<hbm>> -> memref<4x5120xi32, #tpu.memory_space<hbm>>
      tpu.enqueue_dma source(%dma_start3A_104 : memref<4x5120xi32, #tpu.memory_space<hbm>>) target(%arg7 : memref<4x5120xi32, #tpu.memory_space<vmem>>) target_semaphore(%run_scoped3A_97 : memref<!tpu.dma_semaphore, #tpu.memory_space<semaphore_mem>>)
      %dma_wait3A = arith.constant 0 : i32
      %dma_wait3A_105 = arith.constant 0 : i32
      %dma_wait3A_106 = tpu.memref_slice %arg3[%arg1, %dma_wait3A, %dma_wait3A_105] : memref<16x4x5120xi32, #tpu.memory_space<hbm>> -> memref<1x4x5120xi32, #tpu.memory_space<hbm>>
      %dma_wait3A_107 = tpu.memref_squeeze %dma_wait3A_106 : memref<1x4x5120xi32, #tpu.memory_space<hbm>> -> memref<4x5120xi32, #tpu.memory_space<hbm>>
      %dma_wait3A_108 = arith.constant 0 : i32
      %dma_wait3A_109 = arith.constant 0 : i32
      %dma_wait3A_110 = tpu.memref_slice %arg3[%arg1, %dma_wait3A_108, %dma_wait3A_109] : memref<16x4x5120xi32, #tpu.memory_space<hbm>> -> memref<1x4x5120xi32, #tpu.memory_space<hbm>>
      %dma_wait3A_111 = tpu.memref_squeeze %dma_wait3A_110 : memref<1x4x5120xi32, #tpu.memory_space<hbm>> -> memref<4x5120xi32, #tpu.memory_space<hbm>>
      tpu.wait_dma2 semaphore(%run_scoped3A_97 : memref<!tpu.dma_semaphore, #tpu.memory_space<semaphore_mem>>) src(%dma_wait3A_111 : memref<4x5120xi32, #tpu.memory_space<hbm>>) dst(%arg7 : memref<4x5120xi32, #tpu.memory_space<vmem>>)
      tpu.yield
    }) : () -> ()
    "tpu.region"() ({
      %run_scoped3A_97 = tpu.sem_alloc : memref<!tpu.dma_semaphore, #tpu.memory_space<semaphore_mem>>
      tpu.enqueue_dma source(%arg4 : memref<16xi32, #tpu.memory_space<hbm>>) target(%arg21 : memref<16xi32, #tpu.memory_space<vmem>>) target_semaphore(%run_scoped3A_97 : memref<!tpu.dma_semaphore, #tpu.memory_space<semaphore_mem>>)
      tpu.wait_dma2 semaphore(%run_scoped3A_97 : memref<!tpu.dma_semaphore, #tpu.memory_space<semaphore_mem>>) src(%arg4 : memref<16xi32, #tpu.memory_space<hbm>>) dst(%arg21 : memref<16xi32, #tpu.memory_space<vmem>>)
      tpu.yield
    }) : () -> ()
    %scan3A = arith.constant 0 : i32
    %scan3A_8 = arith.constant 0 : i32
    %scan3A_9 = arith.constant 40 : i32
    %scan3A_10 = arith.addi %scan3A_8, %scan3A_9 : i32
    %scan3A_11 = arith.constant 1 : i32
    %scan3A_12 = scf.for %scan3A_97 = %scan3A_8 to %scan3A_10 step %scan3A_11 iter_args(%scan3A_98 = %scan3A) -> (i32)  : i32 {
      %mul3A_99 = arith.constant 16 : i32
      %mul3A_100 = arith.muli %scan3A_97, %mul3A_99 : i32
      %swap3A_101 = arith.index_cast %mul3A_100 : i32 to index
      %swap3A_102 = tpu.vector_load %arg18[%swap3A_101] {strides = array<i32>} : memref<640xf32, #tpu.memory_space<vmem>>, vector<16xf32>,
      tpu.vector_store %arg18[%swap3A_101], %broadcast_in_dim3A_1 {strides = array<i32>} : memref<640xf32, #tpu.memory_space<vmem>>, vector<16xf32>,
      %mul3A_103 = arith.constant 16 : i32
      %mul3A_104 = arith.muli %scan3A_97, %mul3A_103 : i32
      %add3A_105 = vector.broadcast %mul3A_104 : i32 to vector<16xi32>
      %add3A_106 = arith.addi %iota3A, %add3A_105 : vector<16xi32>
      tpu.vector_store_idx %arg14[%add3A_106, %broadcast_in_dim3A_5], %broadcast_in_dim3A_1 : memref<640x2xf32, #tpu.memory_space<vmem>>[vector<16xi32>, vector<16xi32>], vector<16xf32>,
      tpu.vector_store_idx %arg14[%add3A_106, %broadcast_in_dim3A_7], %broadcast_in_dim3A_1 : memref<640x2xf32, #tpu.memory_space<vmem>>[vector<16xi32>, vector<16xi32>], vector<16xf32>,
      %scan3A_107 = arith.constant 0 : i32
      scf.yield %scan3A_107 : i32
    }
    %scan3A_13 = arith.constant 40 : i32
    %scan3A_14 = arith.constant 0 : i32
    %scan3A_15 = arith.constant 0 : i32
    %scan3A_16 = arith.constant 1280 : i32
    %scan3A_17 = arith.addi %scan3A_15, %scan3A_16 : i32
    %scan3A_18 = arith.constant 1 : i32
    %scan3A_19 = scf.for %scan3A_97 = %scan3A_15 to %scan3A_17 step %scan3A_18 iter_args(%scan3A_98 = %scan3A_14) -> (i32)  : i32 {
      %mul3A_99 = arith.constant 16 : i32
      %mul3A_100 = arith.muli %scan3A_97, %mul3A_99 : i32
      %swap3A_101 = arith.index_cast %mul3A_100 : i32 to index
      %swap3A_102 = tpu.vector_load %arg8[%swap3A_101] {strides = array<i32>} : memref<20480xf32, #tpu.memory_space<vmem>>, vector<16xf32>,
      tpu.vector_store %arg8[%swap3A_101], %broadcast_in_dim3A_3 {strides = array<i32>} : memref<20480xf32, #tpu.memory_space<vmem>>, vector<16xf32>,
      %scan3A_103 = arith.constant 0 : i32
      scf.yield %scan3A_103 : i32
    }
    %scan3A_20 = arith.constant 1280 : i32
    "tpu.region"() ({
      %run_scoped3A_97 = tpu.sem_alloc : memref<!tpu.dma_semaphore, #tpu.memory_space<semaphore_mem>>
      %dma_start3A = tpu.memref_slice %arg24[%mul3A_0] : memref<10240xf32, #tpu.memory_space<vmem_shared>> -> memref<640xf32, #tpu.memory_space<vmem_shared>>
      %dma_start3A_98 = tpu.memref_slice %arg24[%mul3A_0] : memref<10240xf32, #tpu.memory_space<vmem_shared>> -> memref<640xf32, #tpu.memory_space<vmem_shared>>
      tpu.enqueue_dma source(%arg18 : memref<640xf32, #tpu.memory_space<vmem>>) target(%dma_start3A_98 : memref<640xf32, #tpu.memory_space<vmem_shared>>) target_semaphore(%run_scoped3A_97 : memref<!tpu.dma_semaphore, #tpu.memory_space<semaphore_mem>>)
      %dma_wait3A = tpu.memref_slice %arg24[%mul3A_0] : memref<10240xf32, #tpu.memory_space<vmem_shared>> -> memref<640xf32, #tpu.memory_space<vmem_shared>>
      %dma_wait3A_99 = tpu.memref_slice %arg24[%mul3A_0] : memref<10240xf32, #tpu.memory_space<vmem_shared>> -> memref<640xf32, #tpu.memory_space<vmem_shared>>
      tpu.wait_dma2 semaphore(%run_scoped3A_97 : memref<!tpu.dma_semaphore, #tpu.memory_space<semaphore_mem>>) src(%arg18 : memref<640xf32, #tpu.memory_space<vmem>>) dst(%dma_wait3A_99 : memref<640xf32, #tpu.memory_space<vmem_shared>>)
      tpu.yield
    }) : () -> ()
    %barrier3A = arith.constant 0 : index
    tpu.barrier barrier_id(%barrier3A)
    %run_scoped3A = arith.constant 0 : i32
    "tpu.region"() ({
      %run_scoped3A_97 = tpu.sem_alloc : memref<!tpu.dma_semaphore, #tpu.memory_space<semaphore_mem>>
      %dma_start3A = arith.constant 0 : i32
      %dma_start3A_98 = tpu.memref_slice %arg8[%dma_start3A] : memref<20480xf32, #tpu.memory_space<vmem>> -> memref<5120xf32, #tpu.memory_space<vmem>>
      %dma_start3A_99 = arith.constant 0 : i32
      %dma_start3A_100 = tpu.memref_slice %arg6[%run_scoped3A, %dma_start3A_99] : memref<4x5120xi32, #tpu.memory_space<vmem>> -> memref<1x5120xi32, #tpu.memory_space<vmem>>
      %dma_start3A_101 = tpu.memref_squeeze %dma_start3A_100 : memref<1x5120xi32, #tpu.memory_space<vmem>> -> memref<5120xi32, #tpu.memory_space<vmem>>
      %dma_start3A_102 = arith.constant 0 : i32
      %dma_start3A_103 = tpu.memref_slice %arg24[%dma_start3A_102] : memref<10240xf32, #tpu.memory_space<vmem_shared>> -> memref<10240xf32, #tpu.memory_space<vmem_shared>>
      tpu.enqueue_indirect_dma source(%dma_start3A_98 : memref<5120xf32, #tpu.memory_space<vmem>>) target(%dma_start3A_103 : memref<10240xf32, #tpu.memory_space<vmem_shared>>) offsets(%dma_start3A_101 : memref<5120xi32, #tpu.memory_space<vmem>>) semaphore(%run_scoped3A_97 : memref<!tpu.dma_semaphore, #tpu.memory_space<semaphore_mem>>) {add = true}
      %dma_wait3A = arith.constant 0 : i32
      %dma_wait3A_104 = tpu.memref_slice %arg8[%dma_wait3A] : memref<20480xf32, #tpu.memory_space<vmem>> -> memref<5120xf32, #tpu.memory_space<vmem>>
      %dma_wait3A_105 = arith.constant 0 : i32
      %dma_wait3A_106 = tpu.memref_slice %arg6[%run_scoped3A, %dma_wait3A_105] : memref<4x5120xi32, #tpu.memory_space<vmem>> -> memref<1x5120xi32, #tpu.memory_space<vmem>>
      %dma_wait3A_107 = tpu.memref_squeeze %dma_wait3A_106 : memref<1x5120xi32, #tpu.memory_space<vmem>> -> memref<5120xi32, #tpu.memory_space<vmem>>
      %dma_wait3A_108 = arith.constant 0 : i32
      %dma_wait3A_109 = tpu.memref_slice %arg24[%dma_wait3A_108] : memref<10240xf32, #tpu.memory_space<vmem_shared>> -> memref<10240xf32, #tpu.memory_space<vmem_shared>>
      tpu.wait_indirect_dma semaphore(%run_scoped3A_97 : memref<!tpu.dma_semaphore, #tpu.memory_space<semaphore_mem>>) src(%dma_wait3A_104 : memref<5120xf32, #tpu.memory_space<vmem>>) dst(%dma_wait3A_109 : memref<10240xf32, #tpu.memory_space<vmem_shared>>)
      tpu.yield
    }) : () -> ()
    %run_scoped3A_21 = arith.constant 1 : i32
    "tpu.region"() ({
      %run_scoped3A_97 = tpu.sem_alloc : memref<!tpu.dma_semaphore, #tpu.memory_space<semaphore_mem>>
      %dma_start3A = arith.constant 5120 : i32
      %dma_start3A_98 = tpu.memref_slice %arg8[%dma_start3A] : memref<20480xf32, #tpu.memory_space<vmem>> -> memref<5120xf32, #tpu.memory_space<vmem>>
      %dma_start3A_99 = arith.constant 0 : i32
      %dma_start3A_100 = tpu.memref_slice %arg6[%run_scoped3A_21, %dma_start3A_99] : memref<4x5120xi32, #tpu.memory_space<vmem>> -> memref<1x5120xi32, #tpu.memory_space<vmem>>
      %dma_start3A_101 = tpu.memref_squeeze %dma_start3A_100 : memref<1x5120xi32, #tpu.memory_space<vmem>> -> memref<5120xi32, #tpu.memory_space<vmem>>
      %dma_start3A_102 = arith.constant 0 : i32
      %dma_start3A_103 = tpu.memref_slice %arg24[%dma_start3A_102] : memref<10240xf32, #tpu.memory_space<vmem_shared>> -> memref<10240xf32, #tpu.memory_space<vmem_shared>>
      tpu.enqueue_indirect_dma source(%dma_start3A_98 : memref<5120xf32, #tpu.memory_space<vmem>>) target(%dma_start3A_103 : memref<10240xf32, #tpu.memory_space<vmem_shared>>) offsets(%dma_start3A_101 : memref<5120xi32, #tpu.memory_space<vmem>>) semaphore(%run_scoped3A_97 : memref<!tpu.dma_semaphore, #tpu.memory_space<semaphore_mem>>) {add = true}
      %dma_wait3A = arith.constant 5120 : i32
      %dma_wait3A_104 = tpu.memref_slice %arg8[%dma_wait3A] : memref<20480xf32, #tpu.memory_space<vmem>> -> memref<5120xf32, #tpu.memory_space<vmem>>
      %dma_wait3A_105 = arith.constant 0 : i32
      %dma_wait3A_106 = tpu.memref_slice %arg6[%run_scoped3A_21, %dma_wait3A_105] : memref<4x5120xi32, #tpu.memory_space<vmem>> -> memref<1x5120xi32, #tpu.memory_space<vmem>>
      %dma_wait3A_107 = tpu.memref_squeeze %dma_wait3A_106 : memref<1x5120xi32, #tpu.memory_space<vmem>> -> memref<5120xi32, #tpu.memory_space<vmem>>
      %dma_wait3A_108 = arith.constant 0 : i32
      %dma_wait3A_109 = tpu.memref_slice %arg24[%dma_wait3A_108] : memref<10240xf32, #tpu.memory_space<vmem_shared>> -> memref<10240xf32, #tpu.memory_space<vmem_shared>>
      tpu.wait_indirect_dma semaphore(%run_scoped3A_97 : memref<!tpu.dma_semaphore, #tpu.memory_space<semaphore_mem>>) src(%dma_wait3A_104 : memref<5120xf32, #tpu.memory_space<vmem>>) dst(%dma_wait3A_109 : memref<10240xf32, #tpu.memory_space<vmem_shared>>)
      tpu.yield
    }) : () -> ()
    %run_scoped3A_22 = arith.constant 2 : i32
    "tpu.region"() ({
      %run_scoped3A_97 = tpu.sem_alloc : memref<!tpu.dma_semaphore, #tpu.memory_space<semaphore_mem>>
      %dma_start3A = arith.constant 10240 : i32
      %dma_start3A_98 = tpu.memref_slice %arg8[%dma_start3A] : memref<20480xf32, #tpu.memory_space<vmem>> -> memref<5120xf32, #tpu.memory_space<vmem>>
      %dma_start3A_99 = arith.constant 0 : i32
      %dma_start3A_100 = tpu.memref_slice %arg6[%run_scoped3A_22, %dma_start3A_99] : memref<4x5120xi32, #tpu.memory_space<vmem>> -> memref<1x5120xi32, #tpu.memory_space<vmem>>
      %dma_start3A_101 = tpu.memref_squeeze %dma_start3A_100 : memref<1x5120xi32, #tpu.memory_space<vmem>> -> memref<5120xi32, #tpu.memory_space<vmem>>
      %dma_start3A_102 = arith.constant 0 : i32
      %dma_start3A_103 = tpu.memref_slice %arg24[%dma_start3A_102] : memref<10240xf32, #tpu.memory_space<vmem_shared>> -> memref<10240xf32, #tpu.memory_space<vmem_shared>>
      tpu.enqueue_indirect_dma source(%dma_start3A_98 : memref<5120xf32, #tpu.memory_space<vmem>>) target(%dma_start3A_103 : memref<10240xf32, #tpu.memory_space<vmem_shared>>) offsets(%dma_start3A_101 : memref<5120xi32, #tpu.memory_space<vmem>>) semaphore(%run_scoped3A_97 : memref<!tpu.dma_semaphore, #tpu.memory_space<semaphore_mem>>) {add = true}
      %dma_wait3A = arith.constant 10240 : i32
      %dma_wait3A_104 = tpu.memref_slice %arg8[%dma_wait3A] : memref<20480xf32, #tpu.memory_space<vmem>> -> memref<5120xf32, #tpu.memory_space<vmem>>
      %dma_wait3A_105 = arith.constant 0 : i32
      %dma_wait3A_106 = tpu.memref_slice %arg6[%run_scoped3A_22, %dma_wait3A_105] : memref<4x5120xi32, #tpu.memory_space<vmem>> -> memref<1x5120xi32, #tpu.memory_space<vmem>>
      %dma_wait3A_107 = tpu.memref_squeeze %dma_wait3A_106 : memref<1x5120xi32, #tpu.memory_space<vmem>> -> memref<5120xi32, #tpu.memory_space<vmem>>
      %dma_wait3A_108 = arith.constant 0 : i32
      %dma_wait3A_109 = tpu.memref_slice %arg24[%dma_wait3A_108] : memref<10240xf32, #tpu.memory_space<vmem_shared>> -> memref<10240xf32, #tpu.memory_space<vmem_shared>>
      tpu.wait_indirect_dma semaphore(%run_scoped3A_97 : memref<!tpu.dma_semaphore, #tpu.memory_space<semaphore_mem>>) src(%dma_wait3A_104 : memref<5120xf32, #tpu.memory_space<vmem>>) dst(%dma_wait3A_109 : memref<10240xf32, #tpu.memory_space<vmem_shared>>)
      tpu.yield
    }) : () -> ()
    %run_scoped3A_23 = arith.constant 3 : i32
    "tpu.region"() ({
      %run_scoped3A_97 = tpu.sem_alloc : memref<!tpu.dma_semaphore, #tpu.memory_space<semaphore_mem>>
      %dma_start3A = arith.constant 15360 : i32
      %dma_start3A_98 = tpu.memref_slice %arg8[%dma_start3A] : memref<20480xf32, #tpu.memory_space<vmem>> -> memref<5120xf32, #tpu.memory_space<vmem>>
      %dma_start3A_99 = arith.constant 0 : i32
      %dma_start3A_100 = tpu.memref_slice %arg6[%run_scoped3A_23, %dma_start3A_99] : memref<4x5120xi32, #tpu.memory_space<vmem>> -> memref<1x5120xi32, #tpu.memory_space<vmem>>
      %dma_start3A_101 = tpu.memref_squeeze %dma_start3A_100 : memref<1x5120xi32, #tpu.memory_space<vmem>> -> memref<5120xi32, #tpu.memory_space<vmem>>
      %dma_start3A_102 = arith.constant 0 : i32
      %dma_start3A_103 = tpu.memref_slice %arg24[%dma_start3A_102] : memref<10240xf32, #tpu.memory_space<vmem_shared>> -> memref<10240xf32, #tpu.memory_space<vmem_shared>>
      tpu.enqueue_indirect_dma source(%dma_start3A_98 : memref<5120xf32, #tpu.memory_space<vmem>>) target(%dma_start3A_103 : memref<10240xf32, #tpu.memory_space<vmem_shared>>) offsets(%dma_start3A_101 : memref<5120xi32, #tpu.memory_space<vmem>>) semaphore(%run_scoped3A_97 : memref<!tpu.dma_semaphore, #tpu.memory_space<semaphore_mem>>) {add = true}
      %dma_wait3A = arith.constant 15360 : i32
      %dma_wait3A_104 = tpu.memref_slice %arg8[%dma_wait3A] : memref<20480xf32, #tpu.memory_space<vmem>> -> memref<5120xf32, #tpu.memory_space<vmem>>
      %dma_wait3A_105 = arith.constant 0 : i32
      %dma_wait3A_106 = tpu.memref_slice %arg6[%run_scoped3A_23, %dma_wait3A_105] : memref<4x5120xi32, #tpu.memory_space<vmem>> -> memref<1x5120xi32, #tpu.memory_space<vmem>>
      %dma_wait3A_107 = tpu.memref_squeeze %dma_wait3A_106 : memref<1x5120xi32, #tpu.memory_space<vmem>> -> memref<5120xi32, #tpu.memory_space<vmem>>
      %dma_wait3A_108 = arith.constant 0 : i32
      %dma_wait3A_109 = tpu.memref_slice %arg24[%dma_wait3A_108] : memref<10240xf32, #tpu.memory_space<vmem_shared>> -> memref<10240xf32, #tpu.memory_space<vmem_shared>>
      tpu.wait_indirect_dma semaphore(%run_scoped3A_97 : memref<!tpu.dma_semaphore, #tpu.memory_space<semaphore_mem>>) src(%dma_wait3A_104 : memref<5120xf32, #tpu.memory_space<vmem>>) dst(%dma_wait3A_109 : memref<10240xf32, #tpu.memory_space<vmem_shared>>)
      tpu.yield
    }) : () -> ()
    %barrier3A_24 = arith.constant 0 : index
    tpu.barrier barrier_id(%barrier3A_24)
    "tpu.region"() ({
      %run_scoped3A_97 = tpu.sem_alloc : memref<!tpu.dma_semaphore, #tpu.memory_space<semaphore_mem>>
      %dma_start3A = tpu.memref_slice %arg24[%mul3A_0] : memref<10240xf32, #tpu.memory_space<vmem_shared>> -> memref<640xf32, #tpu.memory_space<vmem_shared>>
      %dma_start3A_98 = tpu.memref_slice %arg24[%mul3A_0] : memref<10240xf32, #tpu.memory_space<vmem_shared>> -> memref<640xf32, #tpu.memory_space<vmem_shared>>
      tpu.enqueue_dma source(%dma_start3A_98 : memref<640xf32, #tpu.memory_space<vmem_shared>>) target(%arg15 : memref<640xf32, #tpu.memory_space<vmem>>) target_semaphore(%run_scoped3A_97 : memref<!tpu.dma_semaphore, #tpu.memory_space<semaphore_mem>>)
      %dma_wait3A = tpu.memref_slice %arg24[%mul3A_0] : memref<10240xf32, #tpu.memory_space<vmem_shared>> -> memref<640xf32, #tpu.memory_space<vmem_shared>>
      %dma_wait3A_99 = tpu.memref_slice %arg24[%mul3A_0] : memref<10240xf32, #tpu.memory_space<vmem_shared>> -> memref<640xf32, #tpu.memory_space<vmem_shared>>
      tpu.wait_dma2 semaphore(%run_scoped3A_97 : memref<!tpu.dma_semaphore, #tpu.memory_space<semaphore_mem>>) src(%dma_wait3A_99 : memref<640xf32, #tpu.memory_space<vmem_shared>>) dst(%arg15 : memref<640xf32, #tpu.memory_space<vmem>>)
      tpu.yield
    }) : () -> ()
    %get3A = arith.constant 0 : index
    %get3A_25 = tpu.vector_load %arg21[%get3A] {strides = array<i32>} : memref<16xi32, #tpu.memory_space<vmem>>, vector<16xi32>,
    %convert_element_type3A = arith.sitofp %get3A_25 : vector<16xi32> to vector<16xf32>
    %mul3A_26 = arith.constant 2 : i32
    %mul3A_27 = arith.muli %mul3A_26, %arg0 : i32
    %eq3A = vector.broadcast %mul3A_27 : i32 to vector<16xi32>
    %eq3A_28 = arith.cmpi eq, %iota3A, %eq3A : vector<16xi32>
    %jit3A = arith.constant 0.000000e+00 : f32
    %broadcast_in_dim3A_29 = vector.broadcast %jit3A : f32 to vector<16xf32>
    %select_n3A = arith.select %eq3A_28, %convert_element_type3A, %broadcast_in_dim3A_29 : vector<16xi1>, vector<16xf32>
    %reduce_sum3A = arith.constant true
    %reduce_sum3A_30 = vector.broadcast %reduce_sum3A : i1 to vector<16xi1>
    %reduce_sum3A_31 = tpu.scan <sum>, %select_n3A masked %reduce_sum3A_30 : vector<16xf32>, vector<16xi1> -> vector<16xf32>
    %reduce_sum3A_32 = vector.extract %reduce_sum3A_31[15] : f32 from vector<16xf32>
    %convert_element_type3A_33 = arith.fptosi %reduce_sum3A_32 : f32 to i32
    %mul3A_34 = arith.constant 2 : i32
    %mul3A_35 = arith.muli %mul3A_34, %arg0 : i32
    %add3A = arith.constant 1 : i32
    %add3A_36 = arith.addi %mul3A_35, %add3A : i32
    %eq3A_37 = vector.broadcast %add3A_36 : i32 to vector<16xi32>
    %eq3A_38 = arith.cmpi eq, %iota3A, %eq3A_37 : vector<16xi32>
    %jit3A_39 = arith.constant 0.000000e+00 : f32
    %broadcast_in_dim3A_40 = vector.broadcast %jit3A_39 : f32 to vector<16xf32>
    %select_n3A_41 = arith.select %eq3A_38, %convert_element_type3A, %broadcast_in_dim3A_40 : vector<16xi1>, vector<16xf32>
    %reduce_sum3A_42 = arith.constant true
    %reduce_sum3A_43 = vector.broadcast %reduce_sum3A_42 : i1 to vector<16xi1>
    %reduce_sum3A_44 = tpu.scan <sum>, %select_n3A_41 masked %reduce_sum3A_43 : vector<16xf32>, vector<16xi1> -> vector<16xf32>
    %reduce_sum3A_45 = vector.extract %reduce_sum3A_44[15] : f32 from vector<16xf32>
    %convert_element_type3A_46 = arith.fptosi %reduce_sum3A_45 : f32 to i32
    %scan3A_47 = arith.constant 0 : i32
    %scan3A_48 = arith.constant 40 : i32
    %scan3A_49 = arith.addi %scan3A_47, %scan3A_48 : i32
    %scan3A_50 = arith.constant 1 : i32
    %scan3A_51:2 = scf.for %scan3A_97 = %scan3A_47 to %scan3A_49 step %scan3A_50 iter_args(%scan3A_98 = %broadcast_in_dim3A_1, %scan3A_99 = %broadcast_in_dim3A_1) -> (vector<16xf32>, vector<16xf32>)  : i32 {
      %mul3A_100 = arith.constant 16 : i32
      %mul3A_101 = arith.muli %scan3A_97, %mul3A_100 : i32
      %get3A_102 = arith.index_cast %mul3A_101 : i32 to index
      %get3A_103 = tpu.vector_load %arg15[%get3A_102] {strides = array<i32>} : memref<640xf32, #tpu.memory_space<vmem>>, vector<16xf32>,
      %add3A_104 = arith.constant 9.99999996E-13 : f32
      %add3A_105 = vector.broadcast %add3A_104 : f32 to vector<16xf32>
      %add3A_106 = arith.addf %add3A_105, %get3A_103 : vector<16xf32>
      %div3A = arith.constant 1.000000e+00 : f32
      %div3A_107 = vector.broadcast %div3A : f32 to vector<16xf32>
      %div3A_108 = arith.divf %div3A_107, %add3A_106 : vector<16xf32>
      %max3A = arith.constant 9.99999996E-13 : f32
      %max3A_109 = vector.broadcast %max3A : f32 to vector<16xf32>
      %max3A_110 = arith.maximumf %get3A_103, %max3A_109 : vector<16xf32>
      %div3A_111 = arith.constant 1.000000e+00 : f32
      %div3A_112 = vector.broadcast %div3A_111 : f32 to vector<16xf32>
      %div3A_113 = arith.divf %div3A_112, %max3A_110 : vector<16xf32>
      %mul3A_114 = arith.constant 16 : i32
      %mul3A_115 = arith.muli %scan3A_97, %mul3A_114 : i32
      %swap3A_116 = arith.index_cast %mul3A_115 : i32 to index
      %swap3A_117 = tpu.vector_load %arg16[%swap3A_116] {strides = array<i32>} : memref<640xf32, #tpu.memory_space<vmem>>, vector<16xf32>,
      tpu.vector_store %arg16[%swap3A_116], %div3A_108 {strides = array<i32>} : memref<640xf32, #tpu.memory_space<vmem>>, vector<16xf32>,
      %mul3A_118 = arith.constant 16 : i32
      %mul3A_119 = arith.muli %scan3A_97, %mul3A_118 : i32
      %swap3A_120 = arith.index_cast %mul3A_119 : i32 to index
      %swap3A_121 = tpu.vector_load %arg17[%swap3A_120] {strides = array<i32>} : memref<640xf32, #tpu.memory_space<vmem>>, vector<16xf32>,
      tpu.vector_store %arg17[%swap3A_120], %div3A_113 {strides = array<i32>} : memref<640xf32, #tpu.memory_space<vmem>>, vector<16xf32>,
      %mul3A_122 = arith.constant 16 : i32
      %mul3A_123 = arith.muli %scan3A_97, %mul3A_122 : i32
      %add3A_124 = arith.addi %mul3A_0, %mul3A_123 : i32
      %add3A_125 = vector.broadcast %add3A_124 : i32 to vector<16xi32>
      %add3A_126 = arith.addi %iota3A, %add3A_125 : vector<16xi32>
      %eq3A_127 = vector.broadcast %convert_element_type3A_33 : i32 to vector<16xi32>
      %eq3A_128 = arith.cmpi eq, %add3A_126, %eq3A_127 : vector<16xi32>
      %mul3A_129 = arith.constant -1.500000e-01 : f32
      %mul3A_130 = vector.broadcast %mul3A_129 : f32 to vector<16xf32>
      %mul3A_131 = arith.mulf %mul3A_130, %div3A_113 : vector<16xf32>
      %jit3A_132 = arith.constant 0.000000e+00 : f32
      %broadcast_in_dim3A_133 = vector.broadcast %jit3A_132 : f32 to vector<16xf32>
      %select_n3A_134 = arith.select %eq3A_128, %mul3A_131, %broadcast_in_dim3A_133 : vector<16xi1>, vector<16xf32>
      %eq3A_135 = vector.broadcast %convert_element_type3A_46 : i32 to vector<16xi32>
      %eq3A_136 = arith.cmpi eq, %add3A_126, %eq3A_135 : vector<16xi32>
      %mul3A_137 = arith.constant -1.500000e-01 : f32
      %mul3A_138 = vector.broadcast %mul3A_137 : f32 to vector<16xf32>
      %mul3A_139 = arith.mulf %mul3A_138, %div3A_113 : vector<16xf32>
      %jit3A_140 = arith.constant 0.000000e+00 : f32
      %broadcast_in_dim3A_141 = vector.broadcast %jit3A_140 : f32 to vector<16xf32>
      %select_n3A_142 = arith.select %eq3A_136, %mul3A_139, %broadcast_in_dim3A_141 : vector<16xi1>, vector<16xf32>
      %mul3A_143 = arith.constant 16 : i32
      %mul3A_144 = arith.muli %scan3A_97, %mul3A_143 : i32
      %swap3A_145 = arith.index_cast %mul3A_144 : i32 to index
      %swap3A_146 = tpu.vector_load %arg10[%swap3A_145] {strides = array<i32>} : memref<1280xf32, #tpu.memory_space<vmem>>, vector<16xf32>,
      tpu.vector_store %arg10[%swap3A_145], %broadcast_in_dim3A_1 {strides = array<i32>} : memref<1280xf32, #tpu.memory_space<vmem>>, vector<16xf32>,
      %mul3A_147 = arith.constant 16 : i32
      %mul3A_148 = arith.muli %scan3A_97, %mul3A_147 : i32
      %add3A_149 = arith.constant 640 : i32
      %add3A_150 = arith.addi %add3A_149, %mul3A_148 : i32
      %swap3A_151 = arith.index_cast %add3A_150 : i32 to index
      %swap3A_152 = tpu.vector_load %arg10[%swap3A_151] {strides = array<i32>} : memref<1280xf32, #tpu.memory_space<vmem>>, vector<16xf32>,
      tpu.vector_store %arg10[%swap3A_151], %broadcast_in_dim3A_1 {strides = array<i32>} : memref<1280xf32, #tpu.memory_space<vmem>>, vector<16xf32>,
      %mul3A_153 = arith.constant 16 : i32
      %mul3A_154 = arith.muli %scan3A_97, %mul3A_153 : i32
      %swap3A_155 = arith.index_cast %mul3A_154 : i32 to index
      %swap3A_156 = tpu.vector_load %arg11[%swap3A_155] {strides = array<i32>} : memref<1280xf32, #tpu.memory_space<vmem>>, vector<16xf32>,
      tpu.vector_store %arg11[%swap3A_155], %select_n3A_134 {strides = array<i32>} : memref<1280xf32, #tpu.memory_space<vmem>>, vector<16xf32>,
      %mul3A_157 = arith.constant 16 : i32
      %mul3A_158 = arith.muli %scan3A_97, %mul3A_157 : i32
      %add3A_159 = arith.constant 640 : i32
      %add3A_160 = arith.addi %add3A_159, %mul3A_158 : i32
      %swap3A_161 = arith.index_cast %add3A_160 : i32 to index
      %swap3A_162 = tpu.vector_load %arg11[%swap3A_161] {strides = array<i32>} : memref<1280xf32, #tpu.memory_space<vmem>>, vector<16xf32>,
      tpu.vector_store %arg11[%swap3A_161], %select_n3A_142 {strides = array<i32>} : memref<1280xf32, #tpu.memory_space<vmem>>, vector<16xf32>,
      %abs3A = math.absf %select_n3A_134 : vector<16xf32>
      %max3A_163 = arith.maximumf %scan3A_98, %abs3A : vector<16xf32>
      %abs3A_164 = math.absf %select_n3A_142 : vector<16xf32>
      %max3A_165 = arith.maximumf %scan3A_99, %abs3A_164 : vector<16xf32>
      scf.yield %max3A_163, %max3A_165 : vector<16xf32>, vector<16xf32>
    }
    %scan3A_52 = arith.constant 40 : i32
    %reduce_max3A = arith.constant true
    %reduce_max3A_53 = vector.broadcast %reduce_max3A : i1 to vector<16xi1>
    %reduce_max3A_54 = tpu.scan <max>, %scan3A_51#0 masked %reduce_max3A_53 : vector<16xf32>, vector<16xi1> -> vector<16xf32>
    %reduce_max3A_55 = vector.extract %reduce_max3A_54[15] : f32 from vector<16xf32>
    %reduce_max3A_56 = arith.constant true
    %reduce_max3A_57 = vector.broadcast %reduce_max3A_56 : i1 to vector<16xi1>
    %reduce_max3A_58 = tpu.scan <max>, %scan3A_51#1 masked %reduce_max3A_57 : vector<16xf32>, vector<16xi1> -> vector<16xf32>
    %reduce_max3A_59 = vector.extract %reduce_max3A_58[15] : f32 from vector<16xf32>
    %eq3A_60 = arith.constant 0 : i32
    %eq3A_61 = vector.broadcast %eq3A_60 : i32 to vector<16xi32>
    %eq3A_62 = arith.cmpi eq, %iota3A, %eq3A_61 : vector<16xi32>
    %eq3A_63 = arith.constant 1 : i32
    %eq3A_64 = vector.broadcast %eq3A_63 : i32 to vector<16xi32>
    %eq3A_65 = arith.cmpi eq, %iota3A, %eq3A_64 : vector<16xi32>
    %jit3A_66 = arith.constant 0.000000e+00 : f32
    %broadcast_in_dim3A_67 = vector.broadcast %reduce_max3A_59 : f32 to vector<16xf32>
    %broadcast_in_dim3A_68 = vector.broadcast %jit3A_66 : f32 to vector<16xf32>
    %select_n3A_69 = arith.select %eq3A_65, %broadcast_in_dim3A_67, %broadcast_in_dim3A_68 : vector<16xi1>, vector<16xf32>
    %broadcast_in_dim3A_70 = vector.broadcast %reduce_max3A_55 : f32 to vector<16xf32>
    %select_n3A_71 = arith.select %eq3A_62, %broadcast_in_dim3A_70, %select_n3A_69 : vector<16xi1>, vector<16xf32>
    %swap3A = arith.constant 0 : index
    %swap3A_72 = tpu.vector_load %arg20[%swap3A] {strides = array<i32>} : memref<16xf32, #tpu.memory_space<vmem>>, vector<16xf32>,
    tpu.vector_store %arg20[%swap3A], %select_n3A_71 {strides = array<i32>} : memref<16xf32, #tpu.memory_space<vmem>>, vector<16xf32>,
    "tpu.region"() ({
      %run_scoped3A_97 = tpu.sem_alloc : memref<!tpu.dma_semaphore, #tpu.memory_space<semaphore_mem>>
      %dma_start3A = arith.constant 0 : i32
      %dma_start3A_98 = tpu.memref_slice %arg25[%arg1, %dma_start3A] : memref<16x16xf32, #tpu.memory_space<vmem_shared>> -> memref<1x16xf32, #tpu.memory_space<vmem_shared>>
      %dma_start3A_99 = tpu.memref_squeeze %dma_start3A_98 : memref<1x16xf32, #tpu.memory_space<vmem_shared>> -> memref<16xf32, #tpu.memory_space<vmem_shared>>
      %dma_start3A_100 = arith.constant 0 : i32
      %dma_start3A_101 = tpu.memref_slice %arg25[%arg1, %dma_start3A_100] : memref<16x16xf32, #tpu.memory_space<vmem_shared>> -> memref<1x16xf32, #tpu.memory_space<vmem_shared>>
      %dma_start3A_102 = tpu.memref_squeeze %dma_start3A_101 : memref<1x16xf32, #tpu.memory_space<vmem_shared>> -> memref<16xf32, #tpu.memory_space<vmem_shared>>
      tpu.enqueue_dma source(%arg20 : memref<16xf32, #tpu.memory_space<vmem>>) target(%dma_start3A_102 : memref<16xf32, #tpu.memory_space<vmem_shared>>) target_semaphore(%run_scoped3A_97 : memref<!tpu.dma_semaphore, #tpu.memory_space<semaphore_mem>>)
      %dma_wait3A = arith.constant 0 : i32
      %dma_wait3A_103 = tpu.memref_slice %arg25[%arg1, %dma_wait3A] : memref<16x16xf32, #tpu.memory_space<vmem_shared>> -> memref<1x16xf32, #tpu.memory_space<vmem_shared>>
      %dma_wait3A_104 = tpu.memref_squeeze %dma_wait3A_103 : memref<1x16xf32, #tpu.memory_space<vmem_shared>> -> memref<16xf32, #tpu.memory_space<vmem_shared>>
      %dma_wait3A_105 = arith.constant 0 : i32
      %dma_wait3A_106 = tpu.memref_slice %arg25[%arg1, %dma_wait3A_105] : memref<16x16xf32, #tpu.memory_space<vmem_shared>> -> memref<1x16xf32, #tpu.memory_space<vmem_shared>>
      %dma_wait3A_107 = tpu.memref_squeeze %dma_wait3A_106 : memref<1x16xf32, #tpu.memory_space<vmem_shared>> -> memref<16xf32, #tpu.memory_space<vmem_shared>>
      tpu.wait_dma2 semaphore(%run_scoped3A_97 : memref<!tpu.dma_semaphore, #tpu.memory_space<semaphore_mem>>) src(%arg20 : memref<16xf32, #tpu.memory_space<vmem>>) dst(%dma_wait3A_107 : memref<16xf32, #tpu.memory_space<vmem_shared>>)
      tpu.yield
    }) : () -> ()
    %barrier3A_73 = arith.constant 0 : index
    tpu.barrier barrier_id(%barrier3A_73)
    "tpu.region"() ({
      %run_scoped3A_97 = tpu.sem_alloc : memref<!tpu.dma_semaphore, #tpu.memory_space<semaphore_mem>>
      tpu.enqueue_dma source(%arg25 : memref<16x16xf32, #tpu.memory_space<vmem_shared>>) target(%arg19 : memref<16x16xf32, #tpu.memory_space<vmem>>) target_semaphore(%run_scoped3A_97 : memref<!tpu.dma_semaphore, #tpu.memory_space<semaphore_mem>>)
      tpu.wait_dma2 semaphore(%run_scoped3A_97 : memref<!tpu.dma_semaphore, #tpu.memory_space<semaphore_mem>>) src(%arg25 : memref<16x16xf32, #tpu.memory_space<vmem_shared>>) dst(%arg19 : memref<16x16xf32, #tpu.memory_space<vmem>>)
      tpu.yield
    }) : () -> ()
    %scan3A_74 = arith.constant 0 : i32
    %scan3A_75 = arith.constant 16 : i32
    %scan3A_76 = arith.addi %scan3A_74, %scan3A_75 : i32
    %scan3A_77 = arith.constant 1 : i32
    %scan3A_78 = scf.for %scan3A_97 = %scan3A_74 to %scan3A_76 step %scan3A_77 iter_args(%scan3A_98 = %broadcast_in_dim3A_1) -> (vector<16xf32>)  : i32 {
      %get3A_99 = arith.index_cast %scan3A_97 : i32 to index
      %get3A_100 = arith.constant 0 : index
      %get3A_101 = tpu.vector_load %arg19[%get3A_99, %get3A_100] {strides = array<i32>} : memref<16x16xf32, #tpu.memory_space<vmem>>, vector<16xf32>,
      %max3A = arith.maximumf %scan3A_98, %get3A_101 : vector<16xf32>
      scf.yield %max3A : vector<16xf32>
    }
    %scan3A_79 = arith.constant 16 : i32
    %swap3A_80 = arith.constant 0 : index
    %swap3A_81 = tpu.vector_load %arg20[%swap3A_80] {strides = array<i32>} : memref<16xf32, #tpu.memory_space<vmem>>, vector<16xf32>,
    tpu.vector_store %arg20[%swap3A_80], %scan3A_78 {strides = array<i32>} : memref<16xf32, #tpu.memory_space<vmem>>, vector<16xf32>,
    %scan3A_82 = arith.constant 0 : i32
    %scan3A_83 = arith.constant 0 : i32
    %scan3A_84 = arith.constant 30 : i32
    %scan3A_85 = arith.addi %scan3A_83, %scan3A_84 : i32
    %scan3A_86 = arith.constant 1 : i32
    %scan3A_87 = scf.for %scan3A_97 = %scan3A_83 to %scan3A_85 step %scan3A_86 iter_args(%scan3A_98 = %scan3A_82) -> (i32)  : i32 {
      %get3A_99 = arith.constant 0 : index
      %get3A_100 = tpu.vector_load %arg20[%get3A_99] {strides = array<i32>} : memref<16xf32, #tpu.memory_space<vmem>>, vector<16xf32>,
      %slice3A = vector.extract_strided_slice %get3A_100 {offsets = [0], sizes = [1], strides = [1]} : vector<16xf32> to vector<1xf32>
      %squeeze3A = vector.extract %slice3A[0] : f32 from vector<1xf32>
      %gt3A = arith.constant 1.515000e-04 : f32
      %gt3A_101 = arith.cmpf ogt, %squeeze3A, %gt3A : f32
      %slice3A_102 = vector.extract_strided_slice %get3A_100 {offsets = [1], sizes = [1], strides = [1]} : vector<16xf32> to vector<1xf32>
      %squeeze3A_103 = vector.extract %slice3A_102[0] : f32 from vector<1xf32>
      %gt3A_104 = arith.constant 1.515000e-04 : f32
      %gt3A_105 = arith.cmpf ogt, %squeeze3A_103, %gt3A_104 : f32
      %scan3A_106 = arith.constant 0 : i32
      %scan3A_107 = arith.constant 0 : i32
      %scan3A_108 = arith.constant 40 : i32
      %scan3A_109 = arith.addi %scan3A_107, %scan3A_108 : i32
      %scan3A_110 = arith.constant 1 : i32
      %scan3A_111 = scf.for %scan3A_174 = %scan3A_107 to %scan3A_109 step %scan3A_110 iter_args(%scan3A_175 = %scan3A_106) -> (i32)  : i32 {
        %mul3A_176 = arith.constant 16 : i32
        %mul3A_177 = arith.muli %scan3A_174, %mul3A_176 : i32
        %add3A_178 = arith.constant 0 : i32
        %add3A_179 = arith.addi %add3A_178, %mul3A_177 : i32
        %get3A_180 = arith.index_cast %add3A_179 : i32 to index
        %get3A_181 = tpu.vector_load %arg10[%get3A_180] {strides = array<i32>} : memref<1280xf32, #tpu.memory_space<vmem>>, vector<16xf32>,
        %get3A_182 = arith.index_cast %add3A_179 : i32 to index
        %get3A_183 = tpu.vector_load %arg11[%get3A_182] {strides = array<i32>} : memref<1280xf32, #tpu.memory_space<vmem>>, vector<16xf32>,
        %sub3A = arith.subf %get3A_181, %get3A_183 : vector<16xf32>
        %ge3A = arith.constant 1.500000e-04 : f32
        %ge3A_184 = vector.broadcast %ge3A : f32 to vector<16xf32>
        %ge3A_185 = arith.cmpf oge, %sub3A, %ge3A_184 : vector<16xf32>
        %add3A_186 = arith.constant 1.500000e-04 : f32
        %add3A_187 = vector.broadcast %add3A_186 : f32 to vector<16xf32>
        %add3A_188 = arith.addf %get3A_183, %add3A_187 : vector<16xf32>
        %neg3A = arith.constant 0.000000e+00 : f32
        %neg3A_189 = vector.broadcast %neg3A : f32 to vector<16xf32>
        %neg3A_190 = arith.subf %neg3A_189, %add3A_188 : vector<16xf32>
        %jit3A_191 = arith.constant 0.000000e+00 : f32
        %broadcast_in_dim3A_192 = vector.broadcast %jit3A_191 : f32 to vector<16xf32>
        %select_n3A_193 = arith.select %ge3A_185, %neg3A_190, %broadcast_in_dim3A_192 : vector<16xi1>, vector<16xf32>
        %mul3A_194 = arith.constant 16 : i32
        %mul3A_195 = arith.muli %scan3A_174, %mul3A_194 : i32
        %add3A_196 = vector.broadcast %mul3A_195 : i32 to vector<16xi32>
        %add3A_197 = arith.addi %iota3A, %add3A_196 : vector<16xi32>
        %mul3A_198 = arith.constant 16 : i32
        %mul3A_199 = arith.muli %scan3A_174, %mul3A_198 : i32
        %get3A_200 = arith.index_cast %mul3A_199 : i32 to index
        %get3A_201 = tpu.vector_load %arg16[%get3A_200] {strides = array<i32>} : memref<640xf32, #tpu.memory_space<vmem>>, vector<16xf32>,
        %mul3A_202 = arith.mulf %select_n3A_193, %get3A_201 : vector<16xf32>
        tpu.vector_store_idx %arg13[%add3A_197, %broadcast_in_dim3A_5], %mul3A_202 : memref<640x2xf32, #tpu.memory_space<vmem>>[vector<16xi32>, vector<16xi32>], vector<16xf32>,
        %scan3A_203 = arith.constant 0 : i32
        scf.yield %scan3A_203 : i32
      }
      %scan3A_112 = arith.constant 40 : i32
      %scan3A_113 = arith.constant 0 : i32
      %scan3A_114 = arith.constant 0 : i32
      %scan3A_115 = arith.constant 40 : i32
      %scan3A_116 = arith.addi %scan3A_114, %scan3A_115 : i32
      %scan3A_117 = arith.constant 1 : i32
      %scan3A_118 = scf.for %scan3A_174 = %scan3A_114 to %scan3A_116 step %scan3A_117 iter_args(%scan3A_175 = %scan3A_113) -> (i32)  : i32 {
        %mul3A_176 = arith.constant 16 : i32
        %mul3A_177 = arith.muli %scan3A_174, %mul3A_176 : i32
        %add3A_178 = arith.constant 640 : i32
        %add3A_179 = arith.addi %add3A_178, %mul3A_177 : i32
        %get3A_180 = arith.index_cast %add3A_179 : i32 to index
        %get3A_181 = tpu.vector_load %arg10[%get3A_180] {strides = array<i32>} : memref<1280xf32, #tpu.memory_space<vmem>>, vector<16xf32>,
        %get3A_182 = arith.index_cast %add3A_179 : i32 to index
        %get3A_183 = tpu.vector_load %arg11[%get3A_182] {strides = array<i32>} : memref<1280xf32, #tpu.memory_space<vmem>>, vector<16xf32>,
        %sub3A = arith.subf %get3A_181, %get3A_183 : vector<16xf32>
        %ge3A = arith.constant 1.500000e-04 : f32
        %ge3A_184 = vector.broadcast %ge3A : f32 to vector<16xf32>
        %ge3A_185 = arith.cmpf oge, %sub3A, %ge3A_184 : vector<16xf32>
        %add3A_186 = arith.constant 1.500000e-04 : f32
        %add3A_187 = vector.broadcast %add3A_186 : f32 to vector<16xf32>
        %add3A_188 = arith.addf %get3A_183, %add3A_187 : vector<16xf32>
        %neg3A = arith.constant 0.000000e+00 : f32
        %neg3A_189 = vector.broadcast %neg3A : f32 to vector<16xf32>
        %neg3A_190 = arith.subf %neg3A_189, %add3A_188 : vector<16xf32>
        %jit3A_191 = arith.constant 0.000000e+00 : f32
        %broadcast_in_dim3A_192 = vector.broadcast %jit3A_191 : f32 to vector<16xf32>
        %select_n3A_193 = arith.select %ge3A_185, %neg3A_190, %broadcast_in_dim3A_192 : vector<16xi1>, vector<16xf32>
        %mul3A_194 = arith.constant 16 : i32
        %mul3A_195 = arith.muli %scan3A_174, %mul3A_194 : i32
        %add3A_196 = vector.broadcast %mul3A_195 : i32 to vector<16xi32>
        %add3A_197 = arith.addi %iota3A, %add3A_196 : vector<16xi32>
        %mul3A_198 = arith.constant 16 : i32
        %mul3A_199 = arith.muli %scan3A_174, %mul3A_198 : i32
        %get3A_200 = arith.index_cast %mul3A_199 : i32 to index
        %get3A_201 = tpu.vector_load %arg16[%get3A_200] {strides = array<i32>} : memref<640xf32, #tpu.memory_space<vmem>>, vector<16xf32>,
        %mul3A_202 = arith.mulf %select_n3A_193, %get3A_201 : vector<16xf32>
        tpu.vector_store_idx %arg13[%add3A_197, %broadcast_in_dim3A_7], %mul3A_202 : memref<640x2xf32, #tpu.memory_space<vmem>>[vector<16xi32>, vector<16xi32>], vector<16xf32>,
        %scan3A_203 = arith.constant 0 : i32
        scf.yield %scan3A_203 : i32
      }
      %scan3A_119 = arith.constant 40 : i32
      "tpu.region"() ({
        %run_scoped3A_174 = tpu.sem_alloc : memref<!tpu.dma_semaphore, #tpu.memory_space<semaphore_mem>>
        %dma_start3A = arith.constant 0 : i32
        %dma_start3A_175 = tpu.memref_slice %arg22[%mul3A_0, %dma_start3A] : memref<10240x2xf32, #tpu.memory_space<vmem_shared>> -> memref<640x2xf32, #tpu.memory_space<vmem_shared>>
        %dma_start3A_176 = arith.constant 0 : i32
        %dma_start3A_177 = tpu.memref_slice %arg22[%mul3A_0, %dma_start3A_176] : memref<10240x2xf32, #tpu.memory_space<vmem_shared>> -> memref<640x2xf32, #tpu.memory_space<vmem_shared>>
        tpu.enqueue_dma source(%arg13 : memref<640x2xf32, #tpu.memory_space<vmem>>) target(%dma_start3A_177 : memref<640x2xf32, #tpu.memory_space<vmem_shared>>) target_semaphore(%run_scoped3A_174 : memref<!tpu.dma_semaphore, #tpu.memory_space<semaphore_mem>>)
        %dma_wait3A = arith.constant 0 : i32
        %dma_wait3A_178 = tpu.memref_slice %arg22[%mul3A_0, %dma_wait3A] : memref<10240x2xf32, #tpu.memory_space<vmem_shared>> -> memref<640x2xf32, #tpu.memory_space<vmem_shared>>
        %dma_wait3A_179 = arith.constant 0 : i32
        %dma_wait3A_180 = tpu.memref_slice %arg22[%mul3A_0, %dma_wait3A_179] : memref<10240x2xf32, #tpu.memory_space<vmem_shared>> -> memref<640x2xf32, #tpu.memory_space<vmem_shared>>
        tpu.wait_dma2 semaphore(%run_scoped3A_174 : memref<!tpu.dma_semaphore, #tpu.memory_space<semaphore_mem>>) src(%arg13 : memref<640x2xf32, #tpu.memory_space<vmem>>) dst(%dma_wait3A_180 : memref<640x2xf32, #tpu.memory_space<vmem_shared>>)
        tpu.yield
      }) : () -> ()
      "tpu.region"() ({
        %run_scoped3A_174 = tpu.sem_alloc : memref<!tpu.dma_semaphore, #tpu.memory_space<semaphore_mem>>
        %dma_start3A = arith.constant 0 : i32
        %dma_start3A_175 = tpu.memref_slice %arg23[%mul3A_0, %dma_start3A] : memref<10240x2xf32, #tpu.memory_space<vmem_shared>> -> memref<640x2xf32, #tpu.memory_space<vmem_shared>>
        %dma_start3A_176 = arith.constant 0 : i32
        %dma_start3A_177 = tpu.memref_slice %arg23[%mul3A_0, %dma_start3A_176] : memref<10240x2xf32, #tpu.memory_space<vmem_shared>> -> memref<640x2xf32, #tpu.memory_space<vmem_shared>>
        tpu.enqueue_dma source(%arg14 : memref<640x2xf32, #tpu.memory_space<vmem>>) target(%dma_start3A_177 : memref<640x2xf32, #tpu.memory_space<vmem_shared>>) target_semaphore(%run_scoped3A_174 : memref<!tpu.dma_semaphore, #tpu.memory_space<semaphore_mem>>)
        %dma_wait3A = arith.constant 0 : i32
        %dma_wait3A_178 = tpu.memref_slice %arg23[%mul3A_0, %dma_wait3A] : memref<10240x2xf32, #tpu.memory_space<vmem_shared>> -> memref<640x2xf32, #tpu.memory_space<vmem_shared>>
        %dma_wait3A_179 = arith.constant 0 : i32
        %dma_wait3A_180 = tpu.memref_slice %arg23[%mul3A_0, %dma_wait3A_179] : memref<10240x2xf32, #tpu.memory_space<vmem_shared>> -> memref<640x2xf32, #tpu.memory_space<vmem_shared>>
        tpu.wait_dma2 semaphore(%run_scoped3A_174 : memref<!tpu.dma_semaphore, #tpu.memory_space<semaphore_mem>>) src(%arg14 : memref<640x2xf32, #tpu.memory_space<vmem>>) dst(%dma_wait3A_180 : memref<640x2xf32, #tpu.memory_space<vmem_shared>>)
        tpu.yield
      }) : () -> ()
      %barrier3A_120 = arith.constant 0 : index
      tpu.barrier barrier_id(%barrier3A_120)
      %run_scoped3A_121 = arith.constant 0 : i32
      "tpu.region"() ({
        %run_scoped3A_174 = tpu.sem_alloc : memref<!tpu.dma_semaphore, #tpu.memory_space<semaphore_mem>>
        %dma_start3A = arith.constant 0 : i32
        %dma_start3A_175 = tpu.memref_slice %arg7[%run_scoped3A_121, %dma_start3A] : memref<4x5120xi32, #tpu.memory_space<vmem>> -> memref<1x5120xi32, #tpu.memory_space<vmem>>
        %dma_start3A_176 = tpu.memref_squeeze %dma_start3A_175 : memref<1x5120xi32, #tpu.memory_space<vmem>> -> memref<5120xi32, #tpu.memory_space<vmem>>
        %dma_start3A_177 = arith.constant 0 : i32
        %dma_start3A_178 = arith.constant 0 : i32
        %dma_start3A_179 = tpu.memref_slice %arg22[%dma_start3A_177, %dma_start3A_178] : memref<10240x2xf32, #tpu.memory_space<vmem_shared>> -> memref<10240x2xf32, #tpu.memory_space<vmem_shared>>
        tpu.enqueue_indirect_dma source(%dma_start3A_179 : memref<10240x2xf32, #tpu.memory_space<vmem_shared>>) target(%arg9 : memref<5120x2xf32, #tpu.memory_space<vmem>>) offsets(%dma_start3A_176 : memref<5120xi32, #tpu.memory_space<vmem>>) semaphore(%run_scoped3A_174 : memref<!tpu.dma_semaphore, #tpu.memory_space<semaphore_mem>>)
        %dma_wait3A = arith.constant 0 : i32
        %dma_wait3A_180 = tpu.memref_slice %arg7[%run_scoped3A_121, %dma_wait3A] : memref<4x5120xi32, #tpu.memory_space<vmem>> -> memref<1x5120xi32, #tpu.memory_space<vmem>>
        %dma_wait3A_181 = tpu.memref_squeeze %dma_wait3A_180 : memref<1x5120xi32, #tpu.memory_space<vmem>> -> memref<5120xi32, #tpu.memory_space<vmem>>
        %dma_wait3A_182 = arith.constant 0 : i32
        %dma_wait3A_183 = arith.constant 0 : i32
        %dma_wait3A_184 = tpu.memref_slice %arg22[%dma_wait3A_182, %dma_wait3A_183] : memref<10240x2xf32, #tpu.memory_space<vmem_shared>> -> memref<10240x2xf32, #tpu.memory_space<vmem_shared>>
        tpu.wait_indirect_dma semaphore(%run_scoped3A_174 : memref<!tpu.dma_semaphore, #tpu.memory_space<semaphore_mem>>) src(%dma_wait3A_184 : memref<10240x2xf32, #tpu.memory_space<vmem_shared>>) dst(%arg9 : memref<5120x2xf32, #tpu.memory_space<vmem>>)
        tpu.yield
      }) : () -> ()
      %run_scoped3A_122 = arith.constant 0 : i32
      "tpu.region"() ({
        %run_scoped3A_174 = tpu.sem_alloc : memref<!tpu.dma_semaphore, #tpu.memory_space<semaphore_mem>>
        %dma_start3A = arith.constant 0 : i32
        %dma_start3A_175 = tpu.memref_slice %arg6[%run_scoped3A_122, %dma_start3A] : memref<4x5120xi32, #tpu.memory_space<vmem>> -> memref<1x5120xi32, #tpu.memory_space<vmem>>
        %dma_start3A_176 = tpu.memref_squeeze %dma_start3A_175 : memref<1x5120xi32, #tpu.memory_space<vmem>> -> memref<5120xi32, #tpu.memory_space<vmem>>
        %dma_start3A_177 = arith.constant 0 : i32
        %dma_start3A_178 = arith.constant 0 : i32
        %dma_start3A_179 = tpu.memref_slice %arg23[%dma_start3A_177, %dma_start3A_178] : memref<10240x2xf32, #tpu.memory_space<vmem_shared>> -> memref<10240x2xf32, #tpu.memory_space<vmem_shared>>
        tpu.enqueue_indirect_dma source(%arg9 : memref<5120x2xf32, #tpu.memory_space<vmem>>) target(%dma_start3A_179 : memref<10240x2xf32, #tpu.memory_space<vmem_shared>>) offsets(%dma_start3A_176 : memref<5120xi32, #tpu.memory_space<vmem>>) semaphore(%run_scoped3A_174 : memref<!tpu.dma_semaphore, #tpu.memory_space<semaphore_mem>>) {add = true}
        %dma_wait3A = arith.constant 0 : i32
        %dma_wait3A_180 = tpu.memref_slice %arg6[%run_scoped3A_122, %dma_wait3A] : memref<4x5120xi32, #tpu.memory_space<vmem>> -> memref<1x5120xi32, #tpu.memory_space<vmem>>
        %dma_wait3A_181 = tpu.memref_squeeze %dma_wait3A_180 : memref<1x5120xi32, #tpu.memory_space<vmem>> -> memref<5120xi32, #tpu.memory_space<vmem>>
        %dma_wait3A_182 = arith.constant 0 : i32
        %dma_wait3A_183 = arith.constant 0 : i32
        %dma_wait3A_184 = tpu.memref_slice %arg23[%dma_wait3A_182, %dma_wait3A_183] : memref<10240x2xf32, #tpu.memory_space<vmem_shared>> -> memref<10240x2xf32, #tpu.memory_space<vmem_shared>>
        tpu.wait_indirect_dma semaphore(%run_scoped3A_174 : memref<!tpu.dma_semaphore, #tpu.memory_space<semaphore_mem>>) src(%arg9 : memref<5120x2xf32, #tpu.memory_space<vmem>>) dst(%dma_wait3A_184 : memref<10240x2xf32, #tpu.memory_space<vmem_shared>>)
        tpu.yield
      }) : () -> ()
      %run_scoped3A_123 = arith.constant 1 : i32
      "tpu.region"() ({
        %run_scoped3A_174 = tpu.sem_alloc : memref<!tpu.dma_semaphore, #tpu.memory_space<semaphore_mem>>
        %dma_start3A = arith.constant 0 : i32
        %dma_start3A_175 = tpu.memref_slice %arg7[%run_scoped3A_123, %dma_start3A] : memref<4x5120xi32, #tpu.memory_space<vmem>> -> memref<1x5120xi32, #tpu.memory_space<vmem>>
        %dma_start3A_176 = tpu.memref_squeeze %dma_start3A_175 : memref<1x5120xi32, #tpu.memory_space<vmem>> -> memref<5120xi32, #tpu.memory_space<vmem>>
        %dma_start3A_177 = arith.constant 0 : i32
        %dma_start3A_178 = arith.constant 0 : i32
        %dma_start3A_179 = tpu.memref_slice %arg22[%dma_start3A_177, %dma_start3A_178] : memref<10240x2xf32, #tpu.memory_space<vmem_shared>> -> memref<10240x2xf32, #tpu.memory_space<vmem_shared>>
        tpu.enqueue_indirect_dma source(%dma_start3A_179 : memref<10240x2xf32, #tpu.memory_space<vmem_shared>>) target(%arg9 : memref<5120x2xf32, #tpu.memory_space<vmem>>) offsets(%dma_start3A_176 : memref<5120xi32, #tpu.memory_space<vmem>>) semaphore(%run_scoped3A_174 : memref<!tpu.dma_semaphore, #tpu.memory_space<semaphore_mem>>)
        %dma_wait3A = arith.constant 0 : i32
        %dma_wait3A_180 = tpu.memref_slice %arg7[%run_scoped3A_123, %dma_wait3A] : memref<4x5120xi32, #tpu.memory_space<vmem>> -> memref<1x5120xi32, #tpu.memory_space<vmem>>
        %dma_wait3A_181 = tpu.memref_squeeze %dma_wait3A_180 : memref<1x5120xi32, #tpu.memory_space<vmem>> -> memref<5120xi32, #tpu.memory_space<vmem>>
        %dma_wait3A_182 = arith.constant 0 : i32
        %dma_wait3A_183 = arith.constant 0 : i32
        %dma_wait3A_184 = tpu.memref_slice %arg22[%dma_wait3A_182, %dma_wait3A_183] : memref<10240x2xf32, #tpu.memory_space<vmem_shared>> -> memref<10240x2xf32, #tpu.memory_space<vmem_shared>>
        tpu.wait_indirect_dma semaphore(%run_scoped3A_174 : memref<!tpu.dma_semaphore, #tpu.memory_space<semaphore_mem>>) src(%dma_wait3A_184 : memref<10240x2xf32, #tpu.memory_space<vmem_shared>>) dst(%arg9 : memref<5120x2xf32, #tpu.memory_space<vmem>>)
        tpu.yield
      }) : () -> ()
      %run_scoped3A_124 = arith.constant 1 : i32
      "tpu.region"() ({
        %run_scoped3A_174 = tpu.sem_alloc : memref<!tpu.dma_semaphore, #tpu.memory_space<semaphore_mem>>
        %dma_start3A = arith.constant 0 : i32
        %dma_start3A_175 = tpu.memref_slice %arg6[%run_scoped3A_124, %dma_start3A] : memref<4x5120xi32, #tpu.memory_space<vmem>> -> memref<1x5120xi32, #tpu.memory_space<vmem>>
        %dma_start3A_176 = tpu.memref_squeeze %dma_start3A_175 : memref<1x5120xi32, #tpu.memory_space<vmem>> -> memref<5120xi32, #tpu.memory_space<vmem>>
        %dma_start3A_177 = arith.constant 0 : i32
        %dma_start3A_178 = arith.constant 0 : i32
        %dma_start3A_179 = tpu.memref_slice %arg23[%dma_start3A_177, %dma_start3A_178] : memref<10240x2xf32, #tpu.memory_space<vmem_shared>> -> memref<10240x2xf32, #tpu.memory_space<vmem_shared>>
        tpu.enqueue_indirect_dma source(%arg9 : memref<5120x2xf32, #tpu.memory_space<vmem>>) target(%dma_start3A_179 : memref<10240x2xf32, #tpu.memory_space<vmem_shared>>) offsets(%dma_start3A_176 : memref<5120xi32, #tpu.memory_space<vmem>>) semaphore(%run_scoped3A_174 : memref<!tpu.dma_semaphore, #tpu.memory_space<semaphore_mem>>) {add = true}
        %dma_wait3A = arith.constant 0 : i32
        %dma_wait3A_180 = tpu.memref_slice %arg6[%run_scoped3A_124, %dma_wait3A] : memref<4x5120xi32, #tpu.memory_space<vmem>> -> memref<1x5120xi32, #tpu.memory_space<vmem>>
        %dma_wait3A_181 = tpu.memref_squeeze %dma_wait3A_180 : memref<1x5120xi32, #tpu.memory_space<vmem>> -> memref<5120xi32, #tpu.memory_space<vmem>>
        %dma_wait3A_182 = arith.constant 0 : i32
        %dma_wait3A_183 = arith.constant 0 : i32
        %dma_wait3A_184 = tpu.memref_slice %arg23[%dma_wait3A_182, %dma_wait3A_183] : memref<10240x2xf32, #tpu.memory_space<vmem_shared>> -> memref<10240x2xf32, #tpu.memory_space<vmem_shared>>
        tpu.wait_indirect_dma semaphore(%run_scoped3A_174 : memref<!tpu.dma_semaphore, #tpu.memory_space<semaphore_mem>>) src(%arg9 : memref<5120x2xf32, #tpu.memory_space<vmem>>) dst(%dma_wait3A_184 : memref<10240x2xf32, #tpu.memory_space<vmem_shared>>)
        tpu.yield
      }) : () -> ()
      %run_scoped3A_125 = arith.constant 2 : i32
      "tpu.region"() ({
        %run_scoped3A_174 = tpu.sem_alloc : memref<!tpu.dma_semaphore, #tpu.memory_space<semaphore_mem>>
        %dma_start3A = arith.constant 0 : i32
        %dma_start3A_175 = tpu.memref_slice %arg7[%run_scoped3A_125, %dma_start3A] : memref<4x5120xi32, #tpu.memory_space<vmem>> -> memref<1x5120xi32, #tpu.memory_space<vmem>>
        %dma_start3A_176 = tpu.memref_squeeze %dma_start3A_175 : memref<1x5120xi32, #tpu.memory_space<vmem>> -> memref<5120xi32, #tpu.memory_space<vmem>>
        %dma_start3A_177 = arith.constant 0 : i32
        %dma_start3A_178 = arith.constant 0 : i32
        %dma_start3A_179 = tpu.memref_slice %arg22[%dma_start3A_177, %dma_start3A_178] : memref<10240x2xf32, #tpu.memory_space<vmem_shared>> -> memref<10240x2xf32, #tpu.memory_space<vmem_shared>>
        tpu.enqueue_indirect_dma source(%dma_start3A_179 : memref<10240x2xf32, #tpu.memory_space<vmem_shared>>) target(%arg9 : memref<5120x2xf32, #tpu.memory_space<vmem>>) offsets(%dma_start3A_176 : memref<5120xi32, #tpu.memory_space<vmem>>) semaphore(%run_scoped3A_174 : memref<!tpu.dma_semaphore, #tpu.memory_space<semaphore_mem>>)
        %dma_wait3A = arith.constant 0 : i32
        %dma_wait3A_180 = tpu.memref_slice %arg7[%run_scoped3A_125, %dma_wait3A] : memref<4x5120xi32, #tpu.memory_space<vmem>> -> memref<1x5120xi32, #tpu.memory_space<vmem>>
        %dma_wait3A_181 = tpu.memref_squeeze %dma_wait3A_180 : memref<1x5120xi32, #tpu.memory_space<vmem>> -> memref<5120xi32, #tpu.memory_space<vmem>>
        %dma_wait3A_182 = arith.constant 0 : i32
        %dma_wait3A_183 = arith.constant 0 : i32
        %dma_wait3A_184 = tpu.memref_slice %arg22[%dma_wait3A_182, %dma_wait3A_183] : memref<10240x2xf32, #tpu.memory_space<vmem_shared>> -> memref<10240x2xf32, #tpu.memory_space<vmem_shared>>
        tpu.wait_indirect_dma semaphore(%run_scoped3A_174 : memref<!tpu.dma_semaphore, #tpu.memory_space<semaphore_mem>>) src(%dma_wait3A_184 : memref<10240x2xf32, #tpu.memory_space<vmem_shared>>) dst(%arg9 : memref<5120x2xf32, #tpu.memory_space<vmem>>)
        tpu.yield
      }) : () -> ()
      %run_scoped3A_126 = arith.constant 2 : i32
      "tpu.region"() ({
        %run_scoped3A_174 = tpu.sem_alloc : memref<!tpu.dma_semaphore, #tpu.memory_space<semaphore_mem>>
        %dma_start3A = arith.constant 0 : i32
        %dma_start3A_175 = tpu.memref_slice %arg6[%run_scoped3A_126, %dma_start3A] : memref<4x5120xi32, #tpu.memory_space<vmem>> -> memref<1x5120xi32, #tpu.memory_space<vmem>>
        %dma_start3A_176 = tpu.memref_squeeze %dma_start3A_175 : memref<1x5120xi32, #tpu.memory_space<vmem>> -> memref<5120xi32, #tpu.memory_space<vmem>>
        %dma_start3A_177 = arith.constant 0 : i32
        %dma_start3A_178 = arith.constant 0 : i32
        %dma_start3A_179 = tpu.memref_slice %arg23[%dma_start3A_177, %dma_start3A_178] : memref<10240x2xf32, #tpu.memory_space<vmem_shared>> -> memref<10240x2xf32, #tpu.memory_space<vmem_shared>>
        tpu.enqueue_indirect_dma source(%arg9 : memref<5120x2xf32, #tpu.memory_space<vmem>>) target(%dma_start3A_179 : memref<10240x2xf32, #tpu.memory_space<vmem_shared>>) offsets(%dma_start3A_176 : memref<5120xi32, #tpu.memory_space<vmem>>) semaphore(%run_scoped3A_174 : memref<!tpu.dma_semaphore, #tpu.memory_space<semaphore_mem>>) {add = true}
        %dma_wait3A = arith.constant 0 : i32
        %dma_wait3A_180 = tpu.memref_slice %arg6[%run_scoped3A_126, %dma_wait3A] : memref<4x5120xi32, #tpu.memory_space<vmem>> -> memref<1x5120xi32, #tpu.memory_space<vmem>>
        %dma_wait3A_181 = tpu.memref_squeeze %dma_wait3A_180 : memref<1x5120xi32, #tpu.memory_space<vmem>> -> memref<5120xi32, #tpu.memory_space<vmem>>
        %dma_wait3A_182 = arith.constant 0 : i32
        %dma_wait3A_183 = arith.constant 0 : i32
        %dma_wait3A_184 = tpu.memref_slice %arg23[%dma_wait3A_182, %dma_wait3A_183] : memref<10240x2xf32, #tpu.memory_space<vmem_shared>> -> memref<10240x2xf32, #tpu.memory_space<vmem_shared>>
        tpu.wait_indirect_dma semaphore(%run_scoped3A_174 : memref<!tpu.dma_semaphore, #tpu.memory_space<semaphore_mem>>) src(%arg9 : memref<5120x2xf32, #tpu.memory_space<vmem>>) dst(%dma_wait3A_184 : memref<10240x2xf32, #tpu.memory_space<vmem_shared>>)
        tpu.yield
      }) : () -> ()
      %run_scoped3A_127 = arith.constant 3 : i32
      "tpu.region"() ({
        %run_scoped3A_174 = tpu.sem_alloc : memref<!tpu.dma_semaphore, #tpu.memory_space<semaphore_mem>>
        %dma_start3A = arith.constant 0 : i32
        %dma_start3A_175 = tpu.memref_slice %arg7[%run_scoped3A_127, %dma_start3A] : memref<4x5120xi32, #tpu.memory_space<vmem>> -> memref<1x5120xi32, #tpu.memory_space<vmem>>
        %dma_start3A_176 = tpu.memref_squeeze %dma_start3A_175 : memref<1x5120xi32, #tpu.memory_space<vmem>> -> memref<5120xi32, #tpu.memory_space<vmem>>
        %dma_start3A_177 = arith.constant 0 : i32
        %dma_start3A_178 = arith.constant 0 : i32
        %dma_start3A_179 = tpu.memref_slice %arg22[%dma_start3A_177, %dma_start3A_178] : memref<10240x2xf32, #tpu.memory_space<vmem_shared>> -> memref<10240x2xf32, #tpu.memory_space<vmem_shared>>
        tpu.enqueue_indirect_dma source(%dma_start3A_179 : memref<10240x2xf32, #tpu.memory_space<vmem_shared>>) target(%arg9 : memref<5120x2xf32, #tpu.memory_space<vmem>>) offsets(%dma_start3A_176 : memref<5120xi32, #tpu.memory_space<vmem>>) semaphore(%run_scoped3A_174 : memref<!tpu.dma_semaphore, #tpu.memory_space<semaphore_mem>>)
        %dma_wait3A = arith.constant 0 : i32
        %dma_wait3A_180 = tpu.memref_slice %arg7[%run_scoped3A_127, %dma_wait3A] : memref<4x5120xi32, #tpu.memory_space<vmem>> -> memref<1x5120xi32, #tpu.memory_space<vmem>>
        %dma_wait3A_181 = tpu.memref_squeeze %dma_wait3A_180 : memref<1x5120xi32, #tpu.memory_space<vmem>> -> memref<5120xi32, #tpu.memory_space<vmem>>
        %dma_wait3A_182 = arith.constant 0 : i32
        %dma_wait3A_183 = arith.constant 0 : i32
        %dma_wait3A_184 = tpu.memref_slice %arg22[%dma_wait3A_182, %dma_wait3A_183] : memref<10240x2xf32, #tpu.memory_space<vmem_shared>> -> memref<10240x2xf32, #tpu.memory_space<vmem_shared>>
        tpu.wait_indirect_dma semaphore(%run_scoped3A_174 : memref<!tpu.dma_semaphore, #tpu.memory_space<semaphore_mem>>) src(%dma_wait3A_184 : memref<10240x2xf32, #tpu.memory_space<vmem_shared>>) dst(%arg9 : memref<5120x2xf32, #tpu.memory_space<vmem>>)
        tpu.yield
      }) : () -> ()
      %run_scoped3A_128 = arith.constant 3 : i32
      "tpu.region"() ({
        %run_scoped3A_174 = tpu.sem_alloc : memref<!tpu.dma_semaphore, #tpu.memory_space<semaphore_mem>>
        %dma_start3A = arith.constant 0 : i32
        %dma_start3A_175 = tpu.memref_slice %arg6[%run_scoped3A_128, %dma_start3A] : memref<4x5120xi32, #tpu.memory_space<vmem>> -> memref<1x5120xi32, #tpu.memory_space<vmem>>
        %dma_start3A_176 = tpu.memref_squeeze %dma_start3A_175 : memref<1x5120xi32, #tpu.memory_space<vmem>> -> memref<5120xi32, #tpu.memory_space<vmem>>
        %dma_start3A_177 = arith.constant 0 : i32
        %dma_start3A_178 = arith.constant 0 : i32
        %dma_start3A_179 = tpu.memref_slice %arg23[%dma_start3A_177, %dma_start3A_178] : memref<10240x2xf32, #tpu.memory_space<vmem_shared>> -> memref<10240x2xf32, #tpu.memory_space<vmem_shared>>
        tpu.enqueue_indirect_dma source(%arg9 : memref<5120x2xf32, #tpu.memory_space<vmem>>) target(%dma_start3A_179 : memref<10240x2xf32, #tpu.memory_space<vmem_shared>>) offsets(%dma_start3A_176 : memref<5120xi32, #tpu.memory_space<vmem>>) semaphore(%run_scoped3A_174 : memref<!tpu.dma_semaphore, #tpu.memory_space<semaphore_mem>>) {add = true}
        %dma_wait3A = arith.constant 0 : i32
        %dma_wait3A_180 = tpu.memref_slice %arg6[%run_scoped3A_128, %dma_wait3A] : memref<4x5120xi32, #tpu.memory_space<vmem>> -> memref<1x5120xi32, #tpu.memory_space<vmem>>
        %dma_wait3A_181 = tpu.memref_squeeze %dma_wait3A_180 : memref<1x5120xi32, #tpu.memory_space<vmem>> -> memref<5120xi32, #tpu.memory_space<vmem>>
        %dma_wait3A_182 = arith.constant 0 : i32
        %dma_wait3A_183 = arith.constant 0 : i32
        %dma_wait3A_184 = tpu.memref_slice %arg23[%dma_wait3A_182, %dma_wait3A_183] : memref<10240x2xf32, #tpu.memory_space<vmem_shared>> -> memref<10240x2xf32, #tpu.memory_space<vmem_shared>>
        tpu.wait_indirect_dma semaphore(%run_scoped3A_174 : memref<!tpu.dma_semaphore, #tpu.memory_space<semaphore_mem>>) src(%arg9 : memref<5120x2xf32, #tpu.memory_space<vmem>>) dst(%dma_wait3A_184 : memref<10240x2xf32, #tpu.memory_space<vmem_shared>>)
        tpu.yield
      }) : () -> ()
      %barrier3A_129 = arith.constant 0 : index
      tpu.barrier barrier_id(%barrier3A_129)
      "tpu.region"() ({
        %run_scoped3A_174 = tpu.sem_alloc : memref<!tpu.dma_semaphore, #tpu.memory_space<semaphore_mem>>
        %dma_start3A = arith.constant 0 : i32
        %dma_start3A_175 = tpu.memref_slice %arg23[%mul3A_0, %dma_start3A] : memref<10240x2xf32, #tpu.memory_space<vmem_shared>> -> memref<640x2xf32, #tpu.memory_space<vmem_shared>>
        %dma_start3A_176 = arith.constant 0 : i32
        %dma_start3A_177 = tpu.memref_slice %arg23[%mul3A_0, %dma_start3A_176] : memref<10240x2xf32, #tpu.memory_space<vmem_shared>> -> memref<640x2xf32, #tpu.memory_space<vmem_shared>>
        tpu.enqueue_dma source(%dma_start3A_177 : memref<640x2xf32, #tpu.memory_space<vmem_shared>>) target(%arg12 : memref<640x2xf32, #tpu.memory_space<vmem>>) target_semaphore(%run_scoped3A_174 : memref<!tpu.dma_semaphore, #tpu.memory_space<semaphore_mem>>)
        %dma_wait3A = arith.constant 0 : i32
        %dma_wait3A_178 = tpu.memref_slice %arg23[%mul3A_0, %dma_wait3A] : memref<10240x2xf32, #tpu.memory_space<vmem_shared>> -> memref<640x2xf32, #tpu.memory_space<vmem_shared>>
        %dma_wait3A_179 = arith.constant 0 : i32
        %dma_wait3A_180 = tpu.memref_slice %arg23[%mul3A_0, %dma_wait3A_179] : memref<10240x2xf32, #tpu.memory_space<vmem_shared>> -> memref<640x2xf32, #tpu.memory_space<vmem_shared>>
        tpu.wait_dma2 semaphore(%run_scoped3A_174 : memref<!tpu.dma_semaphore, #tpu.memory_space<semaphore_mem>>) src(%dma_wait3A_180 : memref<640x2xf32, #tpu.memory_space<vmem_shared>>) dst(%arg12 : memref<640x2xf32, #tpu.memory_space<vmem>>)
        tpu.yield
      }) : () -> ()
      %scan3A_130 = arith.constant 0 : i32
      %scan3A_131 = arith.constant 40 : i32
      %scan3A_132 = arith.addi %scan3A_130, %scan3A_131 : i32
      %scan3A_133 = arith.constant 1 : i32
      %scan3A_134 = scf.for %scan3A_174 = %scan3A_130 to %scan3A_132 step %scan3A_133 iter_args(%scan3A_175 = %broadcast_in_dim3A_1) -> (vector<16xf32>)  : i32 {
        %mul3A_176 = arith.constant 16 : i32
        %mul3A_177 = arith.muli %scan3A_174, %mul3A_176 : i32
        %add3A_178 = arith.constant 0 : i32
        %add3A_179 = arith.addi %add3A_178, %mul3A_177 : i32
        %get3A_180 = arith.index_cast %add3A_179 : i32 to index
        %get3A_181 = tpu.vector_load %arg10[%get3A_180] {strides = array<i32>} : memref<1280xf32, #tpu.memory_space<vmem>>, vector<16xf32>,
        %get3A_182 = arith.index_cast %add3A_179 : i32 to index
        %get3A_183 = tpu.vector_load %arg11[%get3A_182] {strides = array<i32>} : memref<1280xf32, #tpu.memory_space<vmem>>, vector<16xf32>,
        %mul3A_184 = arith.constant 16 : i32
        %mul3A_185 = arith.muli %scan3A_174, %mul3A_184 : i32
        %add3A_186 = vector.broadcast %mul3A_185 : i32 to vector<16xi32>
        %add3A_187 = arith.addi %iota3A, %add3A_186 : vector<16xi32>
        %gather3A = tpu.vector_load_idx %arg12[%add3A_187, %broadcast_in_dim3A_5] : memref<640x2xf32, #tpu.memory_space<vmem>>[vector<16xi32>, vector<16xi32>], vector<16xf32>,
        %mul3A_188 = arith.constant 16 : i32
        %mul3A_189 = arith.muli %scan3A_174, %mul3A_188 : i32
        %get3A_190 = arith.index_cast %mul3A_189 : i32 to index
        %get3A_191 = tpu.vector_load %arg17[%get3A_190] {strides = array<i32>} : memref<640xf32, #tpu.memory_space<vmem>>, vector<16xf32>,
        %sub3A = arith.subf %get3A_181, %get3A_183 : vector<16xf32>
        %ge3A = arith.constant 1.500000e-04 : f32
        %ge3A_192 = vector.broadcast %ge3A : f32 to vector<16xf32>
        %ge3A_193 = arith.cmpf oge, %sub3A, %ge3A_192 : vector<16xf32>
        %add3A_194 = arith.constant 1.500000e-04 : f32
        %add3A_195 = vector.broadcast %add3A_194 : f32 to vector<16xf32>
        %add3A_196 = arith.addf %get3A_183, %add3A_195 : vector<16xf32>
        %neg3A = arith.constant 0.000000e+00 : f32
        %neg3A_197 = vector.broadcast %neg3A : f32 to vector<16xf32>
        %neg3A_198 = arith.subf %neg3A_197, %add3A_196 : vector<16xf32>
        %jit3A_199 = arith.constant 0.000000e+00 : f32
        %broadcast_in_dim3A_200 = vector.broadcast %jit3A_199 : f32 to vector<16xf32>
        %select_n3A_201 = arith.select %ge3A_193, %neg3A_198, %broadcast_in_dim3A_200 : vector<16xi1>, vector<16xf32>
        %mul3A_202 = arith.constant 4.250000e-01 : f32
        %mul3A_203 = vector.broadcast %mul3A_202 : f32 to vector<16xf32>
        %mul3A_204 = arith.mulf %mul3A_203, %get3A_191 : vector<16xf32>
        %mul3A_205 = arith.mulf %mul3A_204, %gather3A : vector<16xf32>
        %sub3A_206 = arith.constant 1.000000e+00 : f32
        %sub3A_207 = vector.broadcast %sub3A_206 : f32 to vector<16xf32>
        %sub3A_208 = arith.subf %sub3A_207, %get3A_191 : vector<16xf32>
        %mul3A_209 = arith.mulf %sub3A_208, %get3A_183 : vector<16xf32>
        %mul3A_210 = arith.constant 1.500000e-04 : f32
        %mul3A_211 = vector.broadcast %mul3A_210 : f32 to vector<16xf32>
        %mul3A_212 = arith.mulf %mul3A_211, %get3A_191 : vector<16xf32>
        %sub3A_213 = arith.subf %mul3A_209, %mul3A_212 : vector<16xf32>
        %mul3A_214 = arith.constant 4.250000e-01 : f32
        %mul3A_215 = vector.broadcast %mul3A_214 : f32 to vector<16xf32>
        %mul3A_216 = arith.mulf %mul3A_215, %get3A_191 : vector<16xf32>
        %mul3A_217 = arith.mulf %mul3A_216, %select_n3A_201 : vector<16xf32>
        %sub3A_218 = arith.subf %sub3A_213, %mul3A_217 : vector<16xf32>
        %sub3A_219 = arith.subf %sub3A_218, %mul3A_205 : vector<16xf32>
        %sub3A_220 = arith.subf %get3A_183, %mul3A_205 : vector<16xf32>
        %select_n3A_221 = arith.select %ge3A_193, %sub3A_219, %sub3A_220 : vector<16xi1>, vector<16xf32>
        %add3A_222 = arith.addf %get3A_181, %select_n3A_201 : vector<16xf32>
        %select_n3A_223 = arith.select %gt3A_101, %add3A_222, %get3A_181 : vector<16xf32>
        %select_n3A_224 = arith.select %gt3A_101, %select_n3A_221, %get3A_183 : vector<16xf32>
        %swap3A_225 = arith.index_cast %add3A_179 : i32 to index
        %swap3A_226 = tpu.vector_load %arg10[%swap3A_225] {strides = array<i32>} : memref<1280xf32, #tpu.memory_space<vmem>>, vector<16xf32>,
        tpu.vector_store %arg10[%swap3A_225], %select_n3A_223 {strides = array<i32>} : memref<1280xf32, #tpu.memory_space<vmem>>, vector<16xf32>,
        %swap3A_227 = arith.index_cast %add3A_179 : i32 to index
        %swap3A_228 = tpu.vector_load %arg11[%swap3A_227] {strides = array<i32>} : memref<1280xf32, #tpu.memory_space<vmem>>, vector<16xf32>,
        tpu.vector_store %arg11[%swap3A_227], %select_n3A_224 {strides = array<i32>} : memref<1280xf32, #tpu.memory_space<vmem>>, vector<16xf32>,
        %abs3A = math.absf %select_n3A_224 : vector<16xf32>
        %max3A = arith.maximumf %scan3A_175, %abs3A : vector<16xf32>
        scf.yield %max3A : vector<16xf32>
      }
      %scan3A_135 = arith.constant 40 : i32
      %reduce_max3A_136 = arith.constant true
      %reduce_max3A_137 = vector.broadcast %reduce_max3A_136 : i1 to vector<16xi1>
      %reduce_max3A_138 = tpu.scan <max>, %scan3A_134 masked %reduce_max3A_137 : vector<16xf32>, vector<16xi1> -> vector<16xf32>
      %reduce_max3A_139 = vector.extract %reduce_max3A_138[15] : f32 from vector<16xf32>
      %scan3A_140 = arith.constant 0 : i32
      %scan3A_141 = arith.constant 40 : i32
      %scan3A_142 = arith.addi %scan3A_140, %scan3A_141 : i32
      %scan3A_143 = arith.constant 1 : i32
      %scan3A_144 = scf.for %scan3A_174 = %scan3A_140 to %scan3A_142 step %scan3A_143 iter_args(%scan3A_175 = %broadcast_in_dim3A_1) -> (vector<16xf32>)  : i32 {
        %mul3A_176 = arith.constant 16 : i32
        %mul3A_177 = arith.muli %scan3A_174, %mul3A_176 : i32
        %add3A_178 = arith.constant 640 : i32
        %add3A_179 = arith.addi %add3A_178, %mul3A_177 : i32
        %get3A_180 = arith.index_cast %add3A_179 : i32 to index
        %get3A_181 = tpu.vector_load %arg10[%get3A_180] {strides = array<i32>} : memref<1280xf32, #tpu.memory_space<vmem>>, vector<16xf32>,
        %get3A_182 = arith.index_cast %add3A_179 : i32 to index
        %get3A_183 = tpu.vector_load %arg11[%get3A_182] {strides = array<i32>} : memref<1280xf32, #tpu.memory_space<vmem>>, vector<16xf32>,
        %mul3A_184 = arith.constant 16 : i32
        %mul3A_185 = arith.muli %scan3A_174, %mul3A_184 : i32
        %add3A_186 = vector.broadcast %mul3A_185 : i32 to vector<16xi32>
        %add3A_187 = arith.addi %iota3A, %add3A_186 : vector<16xi32>
        %gather3A = tpu.vector_load_idx %arg12[%add3A_187, %broadcast_in_dim3A_7] : memref<640x2xf32, #tpu.memory_space<vmem>>[vector<16xi32>, vector<16xi32>], vector<16xf32>,
        %mul3A_188 = arith.constant 16 : i32
        %mul3A_189 = arith.muli %scan3A_174, %mul3A_188 : i32
        %get3A_190 = arith.index_cast %mul3A_189 : i32 to index
        %get3A_191 = tpu.vector_load %arg17[%get3A_190] {strides = array<i32>} : memref<640xf32, #tpu.memory_space<vmem>>, vector<16xf32>,
        %sub3A = arith.subf %get3A_181, %get3A_183 : vector<16xf32>
        %ge3A = arith.constant 1.500000e-04 : f32
        %ge3A_192 = vector.broadcast %ge3A : f32 to vector<16xf32>
        %ge3A_193 = arith.cmpf oge, %sub3A, %ge3A_192 : vector<16xf32>
        %add3A_194 = arith.constant 1.500000e-04 : f32
        %add3A_195 = vector.broadcast %add3A_194 : f32 to vector<16xf32>
        %add3A_196 = arith.addf %get3A_183, %add3A_195 : vector<16xf32>
        %neg3A = arith.constant 0.000000e+00 : f32
        %neg3A_197 = vector.broadcast %neg3A : f32 to vector<16xf32>
        %neg3A_198 = arith.subf %neg3A_197, %add3A_196 : vector<16xf32>
        %jit3A_199 = arith.constant 0.000000e+00 : f32
        %broadcast_in_dim3A_200 = vector.broadcast %jit3A_199 : f32 to vector<16xf32>
        %select_n3A_201 = arith.select %ge3A_193, %neg3A_198, %broadcast_in_dim3A_200 : vector<16xi1>, vector<16xf32>
        %mul3A_202 = arith.constant 4.250000e-01 : f32
        %mul3A_203 = vector.broadcast %mul3A_202 : f32 to vector<16xf32>
        %mul3A_204 = arith.mulf %mul3A_203, %get3A_191 : vector<16xf32>
        %mul3A_205 = arith.mulf %mul3A_204, %gather3A : vector<16xf32>
        %sub3A_206 = arith.constant 1.000000e+00 : f32
        %sub3A_207 = vector.broadcast %sub3A_206 : f32 to vector<16xf32>
        %sub3A_208 = arith.subf %sub3A_207, %get3A_191 : vector<16xf32>
        %mul3A_209 = arith.mulf %sub3A_208, %get3A_183 : vector<16xf32>
        %mul3A_210 = arith.constant 1.500000e-04 : f32
        %mul3A_211 = vector.broadcast %mul3A_210 : f32 to vector<16xf32>
        %mul3A_212 = arith.mulf %mul3A_211, %get3A_191 : vector<16xf32>
        %sub3A_213 = arith.subf %mul3A_209, %mul3A_212 : vector<16xf32>
        %mul3A_214 = arith.constant 4.250000e-01 : f32
        %mul3A_215 = vector.broadcast %mul3A_214 : f32 to vector<16xf32>
        %mul3A_216 = arith.mulf %mul3A_215, %get3A_191 : vector<16xf32>
        %mul3A_217 = arith.mulf %mul3A_216, %select_n3A_201 : vector<16xf32>
        %sub3A_218 = arith.subf %sub3A_213, %mul3A_217 : vector<16xf32>
        %sub3A_219 = arith.subf %sub3A_218, %mul3A_205 : vector<16xf32>
        %sub3A_220 = arith.subf %get3A_183, %mul3A_205 : vector<16xf32>
        %select_n3A_221 = arith.select %ge3A_193, %sub3A_219, %sub3A_220 : vector<16xi1>, vector<16xf32>
        %add3A_222 = arith.addf %get3A_181, %select_n3A_201 : vector<16xf32>
        %select_n3A_223 = arith.select %gt3A_105, %add3A_222, %get3A_181 : vector<16xf32>
        %select_n3A_224 = arith.select %gt3A_105, %select_n3A_221, %get3A_183 : vector<16xf32>
        %swap3A_225 = arith.index_cast %add3A_179 : i32 to index
        %swap3A_226 = tpu.vector_load %arg10[%swap3A_225] {strides = array<i32>} : memref<1280xf32, #tpu.memory_space<vmem>>, vector<16xf32>,
        tpu.vector_store %arg10[%swap3A_225], %select_n3A_223 {strides = array<i32>} : memref<1280xf32, #tpu.memory_space<vmem>>, vector<16xf32>,
        %swap3A_227 = arith.index_cast %add3A_179 : i32 to index
        %swap3A_228 = tpu.vector_load %arg11[%swap3A_227] {strides = array<i32>} : memref<1280xf32, #tpu.memory_space<vmem>>, vector<16xf32>,
        tpu.vector_store %arg11[%swap3A_227], %select_n3A_224 {strides = array<i32>} : memref<1280xf32, #tpu.memory_space<vmem>>, vector<16xf32>,
        %abs3A = math.absf %select_n3A_224 : vector<16xf32>
        %max3A = arith.maximumf %scan3A_175, %abs3A : vector<16xf32>
        scf.yield %max3A : vector<16xf32>
      }
      %scan3A_145 = arith.constant 40 : i32
      %reduce_max3A_146 = arith.constant true
      %reduce_max3A_147 = vector.broadcast %reduce_max3A_146 : i1 to vector<16xi1>
      %reduce_max3A_148 = tpu.scan <max>, %scan3A_144 masked %reduce_max3A_147 : vector<16xf32>, vector<16xi1> -> vector<16xf32>
      %reduce_max3A_149 = vector.extract %reduce_max3A_148[15] : f32 from vector<16xf32>
      %eq3A_150 = arith.constant 0 : i32
      %eq3A_151 = vector.broadcast %eq3A_150 : i32 to vector<16xi32>
      %eq3A_152 = arith.cmpi eq, %iota3A, %eq3A_151 : vector<16xi32>
      %eq3A_153 = arith.constant 1 : i32
      %eq3A_154 = vector.broadcast %eq3A_153 : i32 to vector<16xi32>
      %eq3A_155 = arith.cmpi eq, %iota3A, %eq3A_154 : vector<16xi32>
      %jit3A_156 = arith.constant 0.000000e+00 : f32
      %broadcast_in_dim3A_157 = vector.broadcast %reduce_max3A_149 : f32 to vector<16xf32>
      %broadcast_in_dim3A_158 = vector.broadcast %jit3A_156 : f32 to vector<16xf32>
      %select_n3A_159 = arith.select %eq3A_155, %broadcast_in_dim3A_157, %broadcast_in_dim3A_158 : vector<16xi1>, vector<16xf32>
      %broadcast_in_dim3A_160 = vector.broadcast %reduce_max3A_139 : f32 to vector<16xf32>
      %select_n3A_161 = arith.select %eq3A_152, %broadcast_in_dim3A_160, %select_n3A_159 : vector<16xi1>, vector<16xf32>
      %swap3A_162 = arith.constant 0 : index
      %swap3A_163 = tpu.vector_load %arg20[%swap3A_162] {strides = array<i32>} : memref<16xf32, #tpu.memory_space<vmem>>, vector<16xf32>,
      tpu.vector_store %arg20[%swap3A_162], %select_n3A_161 {strides = array<i32>} : memref<16xf32, #tpu.memory_space<vmem>>, vector<16xf32>,
      "tpu.region"() ({
        %run_scoped3A_174 = tpu.sem_alloc : memref<!tpu.dma_semaphore, #tpu.memory_space<semaphore_mem>>
        %dma_start3A = arith.constant 0 : i32
        %dma_start3A_175 = tpu.memref_slice %arg25[%arg1, %dma_start3A] : memref<16x16xf32, #tpu.memory_space<vmem_shared>> -> memref<1x16xf32, #tpu.memory_space<vmem_shared>>
        %dma_start3A_176 = tpu.memref_squeeze %dma_start3A_175 : memref<1x16xf32, #tpu.memory_space<vmem_shared>> -> memref<16xf32, #tpu.memory_space<vmem_shared>>
        %dma_start3A_177 = arith.constant 0 : i32
        %dma_start3A_178 = tpu.memref_slice %arg25[%arg1, %dma_start3A_177] : memref<16x16xf32, #tpu.memory_space<vmem_shared>> -> memref<1x16xf32, #tpu.memory_space<vmem_shared>>
        %dma_start3A_179 = tpu.memref_squeeze %dma_start3A_178 : memref<1x16xf32, #tpu.memory_space<vmem_shared>> -> memref<16xf32, #tpu.memory_space<vmem_shared>>
        tpu.enqueue_dma source(%arg20 : memref<16xf32, #tpu.memory_space<vmem>>) target(%dma_start3A_179 : memref<16xf32, #tpu.memory_space<vmem_shared>>) target_semaphore(%run_scoped3A_174 : memref<!tpu.dma_semaphore, #tpu.memory_space<semaphore_mem>>)
        %dma_wait3A = arith.constant 0 : i32
        %dma_wait3A_180 = tpu.memref_slice %arg25[%arg1, %dma_wait3A] : memref<16x16xf32, #tpu.memory_space<vmem_shared>> -> memref<1x16xf32, #tpu.memory_space<vmem_shared>>
        %dma_wait3A_181 = tpu.memref_squeeze %dma_wait3A_180 : memref<1x16xf32, #tpu.memory_space<vmem_shared>> -> memref<16xf32, #tpu.memory_space<vmem_shared>>
        %dma_wait3A_182 = arith.constant 0 : i32
        %dma_wait3A_183 = tpu.memref_slice %arg25[%arg1, %dma_wait3A_182] : memref<16x16xf32, #tpu.memory_space<vmem_shared>> -> memref<1x16xf32, #tpu.memory_space<vmem_shared>>
        %dma_wait3A_184 = tpu.memref_squeeze %dma_wait3A_183 : memref<1x16xf32, #tpu.memory_space<vmem_shared>> -> memref<16xf32, #tpu.memory_space<vmem_shared>>
        tpu.wait_dma2 semaphore(%run_scoped3A_174 : memref<!tpu.dma_semaphore, #tpu.memory_space<semaphore_mem>>) src(%arg20 : memref<16xf32, #tpu.memory_space<vmem>>) dst(%dma_wait3A_184 : memref<16xf32, #tpu.memory_space<vmem_shared>>)
        tpu.yield
      }) : () -> ()
      %barrier3A_164 = arith.constant 0 : index
      tpu.barrier barrier_id(%barrier3A_164)
      "tpu.region"() ({
        %run_scoped3A_174 = tpu.sem_alloc : memref<!tpu.dma_semaphore, #tpu.memory_space<semaphore_mem>>
        tpu.enqueue_dma source(%arg25 : memref<16x16xf32, #tpu.memory_space<vmem_shared>>) target(%arg19 : memref<16x16xf32, #tpu.memory_space<vmem>>) target_semaphore(%run_scoped3A_174 : memref<!tpu.dma_semaphore, #tpu.memory_space<semaphore_mem>>)
        tpu.wait_dma2 semaphore(%run_scoped3A_174 : memref<!tpu.dma_semaphore, #tpu.memory_space<semaphore_mem>>) src(%arg25 : memref<16x16xf32, #tpu.memory_space<vmem_shared>>) dst(%arg19 : memref<16x16xf32, #tpu.memory_space<vmem>>)
        tpu.yield
      }) : () -> ()
      %scan3A_165 = arith.constant 0 : i32
      %scan3A_166 = arith.constant 16 : i32
      %scan3A_167 = arith.addi %scan3A_165, %scan3A_166 : i32
      %scan3A_168 = arith.constant 1 : i32
      %scan3A_169 = scf.for %scan3A_174 = %scan3A_165 to %scan3A_167 step %scan3A_168 iter_args(%scan3A_175 = %broadcast_in_dim3A_1) -> (vector<16xf32>)  : i32 {
        %get3A_176 = arith.index_cast %scan3A_174 : i32 to index
        %get3A_177 = arith.constant 0 : index
        %get3A_178 = tpu.vector_load %arg19[%get3A_176, %get3A_177] {strides = array<i32>} : memref<16x16xf32, #tpu.memory_space<vmem>>, vector<16xf32>,
        %max3A = arith.maximumf %scan3A_175, %get3A_178 : vector<16xf32>
        scf.yield %max3A : vector<16xf32>
      }
      %scan3A_170 = arith.constant 16 : i32
      %swap3A_171 = arith.constant 0 : index
      %swap3A_172 = tpu.vector_load %arg20[%swap3A_171] {strides = array<i32>} : memref<16xf32, #tpu.memory_space<vmem>>, vector<16xf32>,
      tpu.vector_store %arg20[%swap3A_171], %scan3A_169 {strides = array<i32>} : memref<16xf32, #tpu.memory_space<vmem>>, vector<16xf32>,
      %scan3A_173 = arith.constant 0 : i32
      scf.yield %scan3A_173 : i32
    }
    %scan3A_88 = arith.constant 30 : i32
    %mul3A_89 = arith.constant 2 : i32
    %mul3A_90 = arith.muli %mul3A_89, %arg0 : i32
    %add3A_91 = arith.constant 0 : i32
    %add3A_92 = arith.addi %mul3A_90, %add3A_91 : i32
    "tpu.region"() ({
      %run_scoped3A_97 = tpu.sem_alloc : memref<!tpu.dma_semaphore, #tpu.memory_space<semaphore_mem>>
      %dma_start3A = arith.constant 0 : i32
      %dma_start3A_98 = tpu.memref_slice %arg10[%dma_start3A] : memref<1280xf32, #tpu.memory_space<vmem>> -> memref<640xf32, #tpu.memory_space<vmem>>
      %dma_start3A_99 = tpu.memref_slice %arg5[%add3A_92, %mul3A_0] : memref<4x10240xf32, #tpu.memory_space<hbm>> -> memref<1x640xf32, #tpu.memory_space<hbm>>
      %dma_start3A_100 = tpu.memref_squeeze %dma_start3A_99 : memref<1x640xf32, #tpu.memory_space<hbm>> -> memref<640xf32, #tpu.memory_space<hbm>>
      %dma_start3A_101 = tpu.memref_slice %arg5[%add3A_92, %mul3A_0] : memref<4x10240xf32, #tpu.memory_space<hbm>> -> memref<1x640xf32, #tpu.memory_space<hbm>>
      %dma_start3A_102 = tpu.memref_squeeze %dma_start3A_101 : memref<1x640xf32, #tpu.memory_space<hbm>> -> memref<640xf32, #tpu.memory_space<hbm>>
      %dma_start3A_103 = arith.constant 0 : i32
      %dma_start3A_104 = tpu.memref_slice %arg10[%dma_start3A_103] : memref<1280xf32, #tpu.memory_space<vmem>> -> memref<640xf32, #tpu.memory_space<vmem>>
      tpu.enqueue_dma source(%dma_start3A_104 : memref<640xf32, #tpu.memory_space<vmem>>) target(%dma_start3A_102 : memref<640xf32, #tpu.memory_space<hbm>>) target_semaphore(%run_scoped3A_97 : memref<!tpu.dma_semaphore, #tpu.memory_space<semaphore_mem>>)
      %dma_wait3A = arith.constant 0 : i32
      %dma_wait3A_105 = tpu.memref_slice %arg10[%dma_wait3A] : memref<1280xf32, #tpu.memory_space<vmem>> -> memref<640xf32, #tpu.memory_space<vmem>>
      %dma_wait3A_106 = tpu.memref_slice %arg5[%add3A_92, %mul3A_0] : memref<4x10240xf32, #tpu.memory_space<hbm>> -> memref<1x640xf32, #tpu.memory_space<hbm>>
      %dma_wait3A_107 = tpu.memref_squeeze %dma_wait3A_106 : memref<1x640xf32, #tpu.memory_space<hbm>> -> memref<640xf32, #tpu.memory_space<hbm>>
      %dma_wait3A_108 = tpu.memref_slice %arg5[%add3A_92, %mul3A_0] : memref<4x10240xf32, #tpu.memory_space<hbm>> -> memref<1x640xf32, #tpu.memory_space<hbm>>
      %dma_wait3A_109 = tpu.memref_squeeze %dma_wait3A_108 : memref<1x640xf32, #tpu.memory_space<hbm>> -> memref<640xf32, #tpu.memory_space<hbm>>
      %dma_wait3A_110 = arith.constant 0 : i32
      %dma_wait3A_111 = tpu.memref_slice %arg10[%dma_wait3A_110] : memref<1280xf32, #tpu.memory_space<vmem>> -> memref<640xf32, #tpu.memory_space<vmem>>
      tpu.wait_dma2 semaphore(%run_scoped3A_97 : memref<!tpu.dma_semaphore, #tpu.memory_space<semaphore_mem>>) src(%dma_wait3A_111 : memref<640xf32, #tpu.memory_space<vmem>>) dst(%dma_wait3A_109 : memref<640xf32, #tpu.memory_space<hbm>>)
      tpu.yield
    }) : () -> ()
    %mul3A_93 = arith.constant 2 : i32
    %mul3A_94 = arith.muli %mul3A_93, %arg0 : i32
    %add3A_95 = arith.constant 1 : i32
    %add3A_96 = arith.addi %mul3A_94, %add3A_95 : i32
    "tpu.region"() ({
      %run_scoped3A_97 = tpu.sem_alloc : memref<!tpu.dma_semaphore, #tpu.memory_space<semaphore_mem>>
      %dma_start3A = arith.constant 640 : i32
      %dma_start3A_98 = tpu.memref_slice %arg10[%dma_start3A] : memref<1280xf32, #tpu.memory_space<vmem>> -> memref<640xf32, #tpu.memory_space<vmem>>
      %dma_start3A_99 = tpu.memref_slice %arg5[%add3A_96, %mul3A_0] : memref<4x10240xf32, #tpu.memory_space<hbm>> -> memref<1x640xf32, #tpu.memory_space<hbm>>
      %dma_start3A_100 = tpu.memref_squeeze %dma_start3A_99 : memref<1x640xf32, #tpu.memory_space<hbm>> -> memref<640xf32, #tpu.memory_space<hbm>>
      %dma_start3A_101 = tpu.memref_slice %arg5[%add3A_96, %mul3A_0] : memref<4x10240xf32, #tpu.memory_space<hbm>> -> memref<1x640xf32, #tpu.memory_space<hbm>>
      %dma_start3A_102 = tpu.memref_squeeze %dma_start3A_101 : memref<1x640xf32, #tpu.memory_space<hbm>> -> memref<640xf32, #tpu.memory_space<hbm>>
      %dma_start3A_103 = arith.constant 640 : i32
      %dma_start3A_104 = tpu.memref_slice %arg10[%dma_start3A_103] : memref<1280xf32, #tpu.memory_space<vmem>> -> memref<640xf32, #tpu.memory_space<vmem>>
      tpu.enqueue_dma source(%dma_start3A_104 : memref<640xf32, #tpu.memory_space<vmem>>) target(%dma_start3A_102 : memref<640xf32, #tpu.memory_space<hbm>>) target_semaphore(%run_scoped3A_97 : memref<!tpu.dma_semaphore, #tpu.memory_space<semaphore_mem>>)
      %dma_wait3A = arith.constant 640 : i32
      %dma_wait3A_105 = tpu.memref_slice %arg10[%dma_wait3A] : memref<1280xf32, #tpu.memory_space<vmem>> -> memref<640xf32, #tpu.memory_space<vmem>>
      %dma_wait3A_106 = tpu.memref_slice %arg5[%add3A_96, %mul3A_0] : memref<4x10240xf32, #tpu.memory_space<hbm>> -> memref<1x640xf32, #tpu.memory_space<hbm>>
      %dma_wait3A_107 = tpu.memref_squeeze %dma_wait3A_106 : memref<1x640xf32, #tpu.memory_space<hbm>> -> memref<640xf32, #tpu.memory_space<hbm>>
      %dma_wait3A_108 = tpu.memref_slice %arg5[%add3A_96, %mul3A_0] : memref<4x10240xf32, #tpu.memory_space<hbm>> -> memref<1x640xf32, #tpu.memory_space<hbm>>
      %dma_wait3A_109 = tpu.memref_squeeze %dma_wait3A_108 : memref<1x640xf32, #tpu.memory_space<hbm>> -> memref<640xf32, #tpu.memory_space<hbm>>
      %dma_wait3A_110 = arith.constant 640 : i32
      %dma_wait3A_111 = tpu.memref_slice %arg10[%dma_wait3A_110] : memref<1280xf32, #tpu.memory_space<vmem>> -> memref<640xf32, #tpu.memory_space<vmem>>
      tpu.wait_dma2 semaphore(%run_scoped3A_97 : memref<!tpu.dma_semaphore, #tpu.memory_space<semaphore_mem>>) src(%dma_wait3A_111 : memref<640xf32, #tpu.memory_space<vmem>>) dst(%dma_wait3A_109 : memref<640xf32, #tpu.memory_space<hbm>>)
      tpu.yield
    }) : () -> ()
    return
  }
}

</mosaic_0001>

<sc_bundles>
// kernel: _ppr_call.3.cloned.1.call-start
scs
__scs_entry_jumppad:
0x0: {  	(pc) =	sbr.rel $0x88, $3  }
0x1: {  	(tag) =	ssettag $0x0;
	lr =	simm.s32 $0x1  }
0x2: {  	[smem:$0x3F9E] =	sst lr;
	_ =	strace $0xD0000000  }
0x3: {  	_ = 	snop  }
0x4: {  	_ = 	snop  }
0x5: {  	_ = 	snop  }
0x6: {  	_ = 	snop  }
0x7: {  	_ = 	snop  }
__scs_overlays_trampoline_lowered:
0x8: {  	[smem:$0x3FAD] =	sst s0  }
0x9: {  	[smem:$0x3FAE] =	sst s1  }
0xa: {  	[smem:$0x3FAF] =	sst s2  }
0xb: {  	[smem:$0x3FB0] =	sst s3  }
0xc: {  	[smem:$0x3FB1] =	sst s4  }
0xd: {  	[smem:$0x3FB2] =	sst s5  }
0xe: {  	[smem:$0x3FB3] =	sst s6  }
0xf: {  	[smem:$0x3FB4] =	sst s7  }
0x10: {  	[smem:$0x3FB5] =	sst s8  }
0x11: {  	[smem:$0x3FB6] =	sst s9;
	s0 =	simm.s32 @!p0 $0x0  }
0x12: {  	s1 =	sld [smem:$0x3F9C];
	s0 =	simm.s32 @p0 $0x1  }
0x13: {  	[smem:$0x3FB7] =	sst s0;
	s0 =	simm.s32 @!p1 $0x0  }
0x14: {  	s2 =	sld [smem:$0x3F9B];
	s0 =	simm.s32 @p1 $0x1  }
0x15: {  	[smem:$0x3FB8] =	sst s0;
	s0 =	simm.s32 @!p2 $0x0  }
0x16: {  	s3 =	sld [smem:$0x3FDB];
	s0 =	simm.s32 @p2 $0x1  }
0x17: {  	s4 =	simm.s32 $0x1BF5;
	[smem:$0x3FBA] =	sst s0  }
0x18: {  	s0 =	sld [smem:$0x3F9D];
	_ =	swait.ge [sflag:s4], $0x0  }
0x19: {  	s7 =	sld [smem:$0x3F9E]  }
0x1a: {  	s8 =	sadd.s32 $0xFFFFE003, lr  }
0x1b: {  	s9 =	sadd.s32 $0xFFFFFEF7, lr;
	s5 =	simm.s32 $0xFFFFFFFF;
	p2 =	slt.u32 s8, $0xFFFFF086  }
0x1c: {  	p1 =	slt.u32 s9, $0xF7A;
	s5 =	simm.s32 @!p2 $0x0  }
0x1d: {  	s5 =	simm.s32 @p1 $0x1;
	p0 =	seq.s32 s7, s2  }
0x1e: {  	s7 =	smul.u32 @!p0 $0xF7A, s2;
	p2 =	seq.s32 @!p0 s5, $0x0  }
0x1f: {  	s9 =	smul.u32 $0xF7A, s1;
	s8 =	simm.s32 @!p0 $0x1BF5;
	p2 =	por !p2, p0  }
0x20: {  	[sflag:s8] =	ssyncset.s32 @!p0 $0xFFFFF086;
	s6 =	sadd.s32 @!p0 s3, s7;
	s7 =	simm.s32 @!p0 $0x108  }
0x21: {  	s3 =	sadd.s32 s3, s9;
	s6 =	sadd.s32 @!p0 $0x88, s6;
	s7 =	simm.s32 @p2 $0x1082  }
0x22: {  	[simem:s7], [sflag:s8] =	dma.local @!p0 [hbm:s6], $0xF7A  }
0x23: {  	s9 =	sor.u32 $0xD0000000, s2;
	s6 =	simm.s32 $0x108;
	_ =	swait.ge @!p0 [sflag:s8], $0x0  }
0x24: {  	s3 =	sadd.s32 $0x88, s3;
	s6 =	simm.s32 @!p1 $0x1082;
	[sflag:s4] =	ssyncset.s32 $0xFFFFF086  }
0x25: {  	[simem:s6], [sflag:s4] =	dma.local [hbm:s3], $0xF7A  }
0x26: {  	[smem:$0x3F9E] =	sst s1;
	(tag) =	ssettag s2;
	_ =	strace s9  }
0x27: {  	s1 =	sld [smem:$0x3FAE]  }
0x28: {  	s2 =	sld [smem:$0x3FAF]  }
0x29: {  	s4 =	sld [smem:$0x3FB1]  }
0x2a: {  	p0 =	seq.s32 s5, $0x0;
	s5 =	sld [smem:$0x3FB2]  }
0x2b: {  	s6 =	sld [smem:$0x3FB3]  }
0x2c: {  	s7 =	sld [smem:$0x3FB4]  }
0x2d: {  	s3 =	simm.s32 $0x108;
	s8 =	sld [smem:$0x3FB5]  }
0x2e: {  	s3 =	simm.s32 @!p0 $0x1082;
	s9 =	sld [smem:$0x3FB6]  }
0x2f: {  	lr =	sadd.s32 s0, s3;
	s0 =	sld [smem:$0x3FAD]  }
0x30: {  	s3 =	sld [smem:$0x3FB0]  }
0x31: {  	[smem:$0x3FB9] =	sst s10  }
0x32: {  	s10 =	sld [smem:$0x3FB7];
	_ =	sdelay $0x3  }
0x33: {  	p0 =	seq.s32 s10, $0x1;
	s10 =	sld [smem:$0x3FB9];
	_ =	sdelay $0x3  }
0x34: {  	[smem:$0x3FB9] =	sst s10  }
0x35: {  	s10 =	sld [smem:$0x3FB8];
	_ =	sdelay $0x3  }
0x36: {  	p1 =	seq.s32 s10, $0x1;
	s10 =	sld [smem:$0x3FB9];
	_ =	sdelay $0x3  }
0x37: {  	[smem:$0x3FB9] =	sst s10  }
0x38: {  	s10 =	sld [smem:$0x3FBA]  }
0x39: {  	_ = 	snop;
	(pc) =	sbr.ind lr, $3  }
0x3a: {  	_ = 	snop  }
0x3b: {  	_ = 	snop  }
0x3c: {  	p2 =	seq.s32 s10, $0x1;
	s10 =	sld [smem:$0x3FB9]  }
0x3d: {  	_ =	shalt  }
0x3e: {  	_ =	shalt  }
0x3f: {  	_ =	shalt  }
0x40: {  	_ =	shalt  }
0x41: {  	_ =	shalt  }
0x42: {  	_ =	shalt  }
0x43: {  	_ =	shalt  }
0x44: {  	_ =	shalt  }
0x45: {  	_ =	shalt  }
0x46: {  	_ =	shalt  }
0x47: {  	_ =	shalt  }
0x48: {  	_ =	shalt  }
0x49: {  	_ =	shalt  }
0x4a: {  	_ =	shalt  }
0x4b: {  	_ =	shalt  }
0x4c: {  	_ =	shalt  }
0x4d: {  	_ =	shalt  }
0x4e: {  	_ =	shalt  }
0x4f: {  	_ =	shalt  }
0x50: {  	_ =	shalt  }
0x51: {  	_ =	shalt  }
0x52: {  	_ =	shalt  }
0x53: {  	_ =	shalt  }
0x54: {  	_ =	shalt  }
0x55: {  	_ =	shalt  }
0x56: {  	_ =	shalt  }
0x57: {  	_ =	shalt  }
0x58: {  	_ =	shalt  }
0x59: {  	_ =	shalt  }
0x5a: {  	_ =	shalt  }
0x5b: {  	_ =	shalt  }
0x5c: {  	_ =	shalt  }
0x5d: {  	_ =	shalt  }
0x5e: {  	_ =	shalt  }
0x5f: {  	_ =	shalt  }
0x60: {  	_ =	shalt  }
0x61: {  	_ =	shalt  }
0x62: {  	_ =	shalt  }
0x63: {  	_ =	shalt  }
0x64: {  	_ =	shalt  }
0x65: {  	_ =	shalt  }
0x66: {  	_ =	shalt  }
0x67: {  	_ =	shalt  }
0x68: {  	_ =	shalt  }
0x69: {  	_ =	shalt  }
0x6a: {  	_ =	shalt  }
0x6b: {  	_ =	shalt  }
0x6c: {  	_ =	shalt  }
0x6d: {  	_ =	shalt  }
0x6e: {  	_ =	shalt  }
0x6f: {  	_ =	shalt  }
0x70: {  	_ =	shalt  }
0x71: {  	_ =	shalt  }
0x72: {  	_ =	shalt  }
0x73: {  	_ =	shalt  }
0x74: {  	_ =	shalt  }
0x75: {  	_ =	shalt  }
0x76: {  	_ =	shalt  }
0x77: {  	_ =	shalt  }
0x78: {  	_ =	shalt  }
0x79: {  	_ =	shalt  }
0x7a: {  	_ =	shalt  }
0x7b: {  	_ =	shalt  }
0x7c: {  	_ =	shalt  }
0x7d: {  	_ =	shalt  }
0x7e: {  	_ =	shalt  }
0x7f: {  	_ =	shalt  }
0x80: {  	_ =	shalt  }
0x81: {  	_ =	shalt  }
0x82: {  	_ =	shalt  }
0x83: {  	_ =	shalt  }
0x84: {  	_ =	shalt  }
0x85: {  	_ =	shalt  }
0x86: {  	_ =	shalt  }
0x87: {  	_ =	shalt  }
.Lfunc_end0:
.L_simem_size_0:
called_computation_lowered:
.L_overlay_start_0:
0x88: {  	s2 =	sld [smem:$0x3FD9]  }
0x89: {  	s3 =	sld [smem:$0x3FFE];
	_ =	sdelay $0x1  }
0x8a: {  	s1 =	srdreg.scid  }
0x8b: {  	s0 =	sand.u32 $0x1, s1  }
0x8c: {  	s17 =	sshll.u32 s0, $0xA;
	s2 =	sadd.s32 s3, s2  }
0x8d: {  	s2 =	sadd.s32 s2, s17  }
0x8e: {  	[smem:$0x3FC5] =	sst s2  }
0x8f: {  	_ = 	snop  }
0x90: {  	s2 =	sld [smem:$0x3FC7];
	(tm) =	ssettm $0x1  }
0x91: {  	s18 =	sld [smem:$0x3FFB];
	_ =	sdelay $0x3  }
0x92: {  	_ =	strace s18  }
0x93: {  	s3 =	sld [smem:$0x3FFC];
	_ =	sdelay $0x3  }
0x94: {  	_ =	strace s3  }
0x95: {  	s3 =	sld [smem:$0x3FFD];
	_ =	sdelay $0x3  }
0x96: {  	_ =	strace s3  }
0x97: {  	_ =	strace $0x8FFFFFFF  }
0x98: {  	s19 =	sld [smem:$0x3FDB];
	_ =	sdelay $0x1  }
0x99: {  	s4 =	simm.s32 $_scs_section_size  }
0x9a: {  	s5 =	simm.s32 $_size__tile_overlayer_lowered;
	s6 =	simm.s32 $_tile_overlayer_lowered  }
0x9b: {  	s22 =	simm.s32 $0x1BFF;
	s21 =	sshll.u32 s6, $0x1;
	s3 =	sadd.s32 s4, s19  }
0x9c: {  	s7 =	simm.s32 $0x0;
	s20 =	sshll.u32 s5, $0x1;
	s5 =	sadd.s32 s21, s3  }
0x9d: {  	[timem:s7], [sflag:s22] =	dma.local [hbm:s5], s20  }
0x9e: {  	_ =	swait.ge [sflag:s22], s20  }
0x9f: {  	s4 =	ssub.s32 $0x0, s20;
	[sflag:s22] =	ssyncset.done $0x0  }
0xa0: {  	[sflag:s22] =	ssyncadd.s32 s4;
	_ =	sdelay $0x1  }
0xa1: {  	s23 =	simm.s32 $0x1B8B  }
0xa2: {  	_ =	swait.ge [sflag:s23], $0x1  }
0xa3: {  	[sflag:s23] =	ssyncset.done $0x0  }
0xa4: {  	s25 =	simm.s32 $0x1B8E;
	s24 =	sld [smem:$0x3FFE];
	[sflag:s23] =	ssyncadd.s32 $0xFFFFFFFF  }
0xa5: {  	s26 =	simm.s32 $execute0_lowered;
	[smem:$0x3FD2] =	sst s25  }
0xa6: {  	s5 =	sshll.u32 s26, $0x1;
	_ =	strace $0x80000046;
	[dreg:$0x1] =	wrdreg $0xFFFFFFFF  }
0xa7: {  	s28 =	simm.s32 $_size_execute0_lowered;
	s3 =	sadd.s32 s3, s5;
	[dreg:$0x0] =	wrdreg $0x0  }
0xa8: {  	s5 =	sshll.u32 s28, $0x1;
	[dreg:$0x2] =	wrdreg s3  }
0xa9: {  	[dreg:$0x3] =	wrdreg s5  }
0xaa: {  	[dreg:$0x4] =	wrdreg $0xC0  }
0xab: {  	_ =	task [dreg:s7], $0x5FFFF  }
0xac: {  	[dreg:$0x1] =	wrdreg $0xFFFFFFFF  }
0xad: {  	[dreg:$0x0] =	wrdreg $0x60  }
0xae: {  	[dreg:$0x2] =	wrdreg s24  }
0xaf: {  	[dreg:$0x3] =	wrdreg s2  }
0xb0: {  	[dreg:$0x4] =	wrdreg $0x1EB200  }
0xb1: {  	[dreg:$0x5] =	wrdreg $0x1EDA00  }
0xb2: {  	[dreg:$0x6] =	wrdreg $0x1E1200  }
0xb3: {  	[dreg:$0x7] =	wrdreg $0x1E6200  }
0xb4: {  	[dreg:$0x8] =	wrdreg $0x9  }
0xb5: {  	_ =	task.clear_ibuf [dreg:s7], $0x9FFFF;
	_ =	strace $0x90000046  }
0xb6: {  	s29 =	simm.s32 $0x9;
	_ =	strace $0x80000048  }
0xb7: {  	_ =	swait.ge [sflag:s29], $0x1  }
0xb8: {  	[sflag:s29] =	ssyncadd.s32 $0xFFFFFFFF  }
0xb9: {  	_ =	strace $0x90000048  }
0xba: {  	_ =	sfence  }
0xbb: {  	s30 =	sld [smem:$0x0];
	_ =	sdelay $0x2  }
0xbc: {  	s31 =	sshll.u32 s1, $0xD;
	s1 =	sshrl.u32 s1, $0x2  }
0xbd: {  	s3 =	sand.u32 $0x4000, s31;
	s1 =	sadd.s32 s1, s30  }
0xbe: {  	s0 =	sor.u32 s3, s0;
	s1 =	sshll.u32 s1, $0x11  }
0xbf: {  	s0 =	sor.u32 s1, s0  }
0xc0: {  	s0 =	sadd.s32 $0x8F2B, s0  }
0xc1: {  	[sflag:s0] =	ssyncadd.remote.s32 $0x1  }
0xc2: {  	_ =	sfence.sel $0xFFFF  }
0xc3: {  	[dreg:$0x0] =	wrdreg $0xFFFFFFFF;
	(pc) =	sbr.abs _section_cstart, $3  }
0xc4: {  	[dreg:$0x1] =	wrdreg $0xFFFFFFFF  }
0xc5: {  	_ =	task.clear_ibuf [dreg:s7], $0x2FFFF;
	_ =	strace $0x9FFFFFFF  }
0xc6: {  	(tm) =	ssettm $0x7FFFFFFF  }
0xc7: {  	_ =	shalt  }
tec
execute0_lowered:
.L_overlay_start_1:
0x0: {  	(tag) =	ssettag $0x1  }
0x1: {  	s0 =	rddreg [dreg:$0x0]  }
0x2: {  	s12 =	rddreg [dreg:$0x2]  }
0x3: {  	s3 =	rddreg [dreg:$0x3]  }
0x4: {  	s5 =	rddreg [dreg:$0x4]  }
0x5: {  	s6 =	rddreg [dreg:$0x5];
	s7 =	simm.s32 $0x0;
	s13 =	stileid.u32  }
0x6: {  	s1 =	srdreg.scid;
	s18 =	simm.s32 $0x1;
	s19 =	simm.s32 $0x5000  }
0x7: {  	s29 =	simm.s32 $0x3C00;
	s20 =	simm.s32 $0xF000;
	s2 =	smul.u32 $0xA00, s13  }
0x8: {  	s28 =	simm.s32 $0x19A00;
	s30 =	simm.s32 $0x0;
	s8 =	smul.u32 $0x280, s13  }
0x9: {  	[smem:$0x7FF] =	sst s7;
	s1 =	sand.u32 $0x1, s1;
	s21 =	smul.u32 $0x1400, s13  }
0xa: {  	s23 =	sshll.u32 s13, $0x4;
	_ =	strace $0x80000047;
	s4 =	ssub.s32 $0x2, s1  }
0xb: {  	s22 =	sshllo.u32 s1, $0x1;
	s11 =	smul.u32 $0x5000, s1;
	s1 =	sshll.u32 s1, $0x1  }
0xc: {  	s2 =	sadd.s32 s2, s0;
	s9 =	sshrl.u32 s4, $0x1;
	s0 =	sadd.s32 $0x14600, s0  }
0xd: {  	s14 =	smul.u32 $0x2800, s22;
	s12 =	sadd.s32 s8, s12;
	s13 =	sadd.s32 s21, s5  }
0xe: {  	v4 =	vmov s1;
	v5 =	vmov s22;
	s1 =	simm.s32 $0x1AE00;
	s22 =	simm.s32 $0x6400;
	s4 =	ssub.s32 s4, s9  }
0xf: {  	s10 =	sadd.s32 $0x600, s2;
	s2 =	sadd.s32 $0xA600, s2;
	[dreg:$0x9] =	wrdreg s12  }
0x10: {  	s12 =	sadd.s32 s23, s3;
	s24 =	sadd.s32 s8, s11;
	[dreg:$0x7] =	wrdreg s10  }
0x11: {  	s23 =	simm.s32 $0x1400;
	[dreg:$0x8] =	wrdreg s2;
	s25 =	sadd.s32 s8, s14  }
0x12: {  	s14 =	sadd.s32 s21, s6;
	s2 =	sshrl.u32 s24, $0x3;
	s31 =	smax.u32 s4, $0x1  }
0x13: {  	s21 =	simm.s32 $0x1C200;
	s4 =	simm.s32 $0x1E000;
	s24 =	simm.s32 $0x7800  }
0x14: {  	v0 =	vimm.f32 $0.0e+00;
	v1 =	vlaneseq.u32;
	s26 =	sshrl.u32 s25, $0x3;
	s2 =	sadd.s32 s0, s2;
	[dreg:$0xc] =	wrdreg s31  }
0x15: {  	v3 =	vimm.f32 $1.000000000e+00;
	vm2 =	vcmask $0x704;
	vm3 =	vcmask $0x3F04;
	s25 =	simm.s32 $0x8C00;
	[dreg:$0xa] =	wrdreg s2;
	s0 =	sadd.s32 s0, s26  }
0x16: {  	v2 =	vmul.u32 $0x8, v1;
	vm0 =	veq.s32 v5, v1;
	vm1 =	veq.s32 v4, v1;
	s26 =	simm.s32 $0x2800;
	[dreg:$0xb] =	wrdreg s0;
	s0 =	simm.s32 $0x1E100  }
.LBB2_1:
0x17: {  	s2 =	rddreg [dreg:$0x7]  }
0x18: {  	[tilespmem:s7], [sflag:$0x1] =	stream.linear.gather [hbm4b:s2+s7], $0x5000, $0x38;
	[tilespmem:$0x1EDB0] =	vst v63  }
0x19: {  	_ =	swait.ge [sflag:s18], $0x5000  }
0x1a: {  	[sflag:s18] =	ssyncset.done $0x0  }
0x1b: {  	s17 =	rddreg [dreg:$0x8];
	[sflag:s18] =	ssyncadd.s32 $0xFFFFB000  }
0x1c: {  	[tilespmem:s19], [sflag:$0x1] =	stream.linear.gather [hbm4b:s17+s7], $0x5000, $0x38;
	[tilespmem:$0x1EDB0] =	vst v63  }
0x1d: {  	_ =	swait.ge [sflag:s18], $0x5000  }
0x1e: {  	[sflag:s18] =	ssyncset.done $0x0  }
0x1f: {  	[sflag:s18] =	ssyncadd.s32 $0xFFFFB000  }
0x20: {  	s9 =	simm.s32 $0x1E110;
	s31 =	rddreg [dreg:$0x1]  }
0x21: {  	[tilespmem:s9], [sflag:$0x1] =	stream.linear.gather [hbm4b:s31+s7], $0x10, $0x38;
	[tilespmem:$0x1EDB0] =	vst v63  }
0x22: {  	_ =	swait.ge [sflag:s18], $0x10  }
0x23: {  	[sflag:s18] =	ssyncset.done $0x0  }
0x24: {  	s2 =	simm.s32 $0x1DD80;
	s9 =	simm.s32 $0x0;
	[sflag:s18] =	ssyncadd.s32 $0xFFFFFFF0  }
.LBB2_2:
0x25: {  	v4 =	vmov s9  }
0x26: {  	v4 =	vshll.u32 v4, $0x3  }
0x27: {  	v4 =	vor.u32 v2, v4  }
0x28: {  	p0 =	sne.s32 s9, $0x270;
	v5 =	vor.u32 $0x1, v4  }
.Ltmp0:
0x29: {  	_ = 	snop;
	(pc) =	sbr.rel @p0 .LBB2_2-.Ltmp0, $4  }
0x2a: {  	_ = 	snop  }
0x2b: {  	[tilespmem:s2+$0x0] =	vst v0  }
0x2c: {  	[tilespmem:v4+s21+$0x0] =	vst.idx.msk $0xffff, v0  }
0x2d: {  	s2 =	sadd.s32 $0x10, s2;
	s9 =	sadd.s32 $0x10, s9;
	[tilespmem:v5+s21+$0x0] =	vst.idx.msk $0xffff, v0  }
0x2e: {  	s2 =	simm.s32 $0x40;
	s9 =	simm.s32 $0x0  }
.LBB2_4:
0x2f: {  	p0 =	sne.s32 s2, $0x13FC0;
	[tilespmem:s9+$0xA000] =	vst v3;
	s9 =	smov.u32 s2;
	s2 =	sadd.s32 $0x40, s2  }
.Ltmp1:
0x30: {  	(pc) =	sbr.rel @p0 .LBB2_4-.Ltmp1, $2  }
0x31: {  	_ =	sdelay $0x2  }
0x32: {  	s9 =	sshra.s32 s9, $0x2  }
0x33: {  	[tilespmem:s9+$0xA000] =	vst v3;
	s10 =	rddreg [dreg:$0x9];
	s2 =	simm.s32 $0x1DD80  }
0x34: {  	[spmem:s10] =	stream.linear.scatter [tilespmem:s2], [sflag:$0x1], $0x280, $0x38;
	[tilespmem:$0x1EDB0] =	vst v63  }
0x35: {  	_ =	swait.ge [sflag:s18], $0x280  }
0x36: {  	[sflag:s18] =	ssyncset.done $0x0  }
0x37: {  	[sflag:s18] =	ssyncadd.s32 $0xFFFFFD80  }
0x38: {  	[bflag:$0x0] =	sbarrier.arrive $0xFFFF  }
0x39: {  	s9 =	simm.s32 $0x0;
	s11 =	simm.s32 $0xA000;
	s15 =	rddreg [dreg:$0x2]  }
0x3a: {  	[spmem:s15] =	stream.indirect.scatter.add.f32 [tilespmem:s11], [sflag:$0x1], $0x1, s9, s23, $0xb8;
	[tilespmem:$0x1EDB0] =	vst v63  }
0x3b: {  	_ =	swait.ge [sflag:s18], $0x1400  }
0x3c: {  	[sflag:s18] =	ssyncset.done $0x0  }
0x3d: {  	s16 =	simm.s32 $0xB400;
	[sflag:s18] =	ssyncadd.s32 $0xFFFFEC00  }
0x3e: {  	[spmem:s15] =	stream.indirect.scatter.add.f32 [tilespmem:s16], [sflag:$0x1], $0x1, s23, s23, $0xb8;
	[tilespmem:$0x1EDB0] =	vst v63  }
0x3f: {  	_ =	swait.ge [sflag:s18], $0x1400  }
0x40: {  	[sflag:s18] =	ssyncset.done $0x0  }
0x41: {  	s17 =	simm.s32 $0xC800;
	[sflag:s18] =	ssyncadd.s32 $0xFFFFEC00  }
0x42: {  	[spmem:s15] =	stream.indirect.scatter.add.f32 [tilespmem:s17], [sflag:$0x1], $0x1, s26, s23, $0xb8;
	[tilespmem:$0x1EDB0] =	vst v63  }
0x43: {  	_ =	swait.ge [sflag:s18], $0x1400  }
0x44: {  	[sflag:s18] =	ssyncset.done $0x0  }
0x45: {  	s11 =	simm.s32 $0xDC00;
	[sflag:s18] =	ssyncadd.s32 $0xFFFFEC00  }
0x46: {  	[spmem:s15] =	stream.indirect.scatter.add.f32 [tilespmem:s11], [sflag:$0x1], $0x1, s29, s23, $0xb8;
	[tilespmem:$0x1EDB0] =	vst v63  }
0x47: {  	_ =	swait.ge [sflag:s18], $0x1400  }
0x48: {  	[sflag:s18] =	ssyncset.done $0x0  }
0x49: {  	[sflag:s18] =	ssyncadd.s32 $0xFFFFEC00  }
0x4a: {  	s15 =	simm.s32 $0x1D600;
	[bflag:$0x0] =	sbarrier.arrive $0xFFFF  }
0x4b: {  	[tilespmem:s15], [sflag:$0x1] =	stream.linear.gather [spmem:s10], $0x280, $0x38;
	[tilespmem:$0x1EDB0] =	vst v63  }
0x4c: {  	_ =	swait.ge [sflag:s18], $0x280  }
0x4d: {  	[sflag:s18] =	ssyncset.done $0x0  }
0x4e: {  	[sflag:s18] =	ssyncadd.s32 $0xFFFFFD80  }
0x4f: {  	v4 =	vld [tilespmem:$0x1E110];
	_ =	sdelay $0x4  }
0x50: {  	v4 =	vcvt.s32.f32 v4;
	_ =	sdelay $0x1  }
0x51: {  	v5 =	vnsel vm1, $0x0, v4  }
0x52: {  	v4 =	vnsel vm0, $0x0, v4;
	(xrf2) =	vadd.scan.msk.f32 $0xffff, v5  }
0x53: {  	(xrf2) =	vadd.scan.msk.f32 $0xffff, v4;
	_ =	sdelay $0x8  }
0x54: {  	v4, _, _ =	vpop (xrf2)  }
0x55: {  	(v2sf) =	vpush v4, $0xF;
	v4, _, _ =	vpop (xrf2)  }
0x56: {  	s10 =	simm.s32 $0x0;
	(v2sf) =	vpush v4, $0xF  }
0x57: {  	v4 =	vld [tilespmem:s10+$0x1D600];
	_ =	sdelay $0x3  }
0x58: {  	[tilespmem:s10+$0x19000] =	vst v0  }
0x59: {  	s31 =	simm.s32 $0x10;
	[tilespmem:s10+$0x19280] =	vst v0;
	v5 =	vadd.f32 $9.999999960e-13, v4;
	v4 =	vmax.f32 v4, $9.999999960e-13  }
0x5a: {  	(erf) = vrcp.f32 v4;
	v4 =	vld [tilespmem:s31+$0x1D600];
	_ =	sdelay $0x1  }
0x5b: {  	(erf) = vrcp.f32 v5;
	_ =	sdelay $0x2  }
0x5c: {  	[tilespmem:s31+$0x19000] =	vst v0;
	v7 =	vadd.f32 $9.999999960e-13, v4  }
0x5d: {  	s9 =	simm.s32 $0x20;
	[tilespmem:s31+$0x19280] =	vst v0;
	v4 =	vmax.f32 v4, $9.999999960e-13  }
0x5e: {  	v8 =	vld [tilespmem:s9+$0x1D600];
	(erf) = vrcp.f32 v4;
	s16 =	spop (v2sf)  }
0x5f: {  	(erf) = vrcp.f32 v7;
	s17 =	spop (v2sf)  }
0x60: {  	[tilespmem:s9+$0x19000] =	vst v0;
	s2 =	scvt.f32.s32 s16;
	v7 =	vpop (erf);
	s11 =	scvt.f32.s32 s17  }
0x61: {  	v6 =	vimm.f32 $0.0e+00;
	v11 =	vor.u32 s8, v1;
	[tilespmem:s9+$0x19280] =	vst v0;
	v10 =	vmul.f32 $-1.500000060e-01, v7  }
0x62: {  	s15 =	simm.s32 $0xC0;
	[tilespmem:s10+$0x1DB00] =	vst v7;
	v9 =	vpop (erf);
	v7 =	vimm.f32 $0.0e+00;
	v5 =	vmov s2;
	s2 =	smov.u32 s8;
	v4 =	vmov s11  }
.LBB2_6:
0x63: {  	s11 =	sshra.s32 s15, $0x2;
	p0 =	sne.s32 s15, $0x9C0;
	s15 =	sadd.s32 $0x40, s15;
	v12 =	vadd.f32 $9.999999960e-13, v8;
	v13 =	vmax.f32 v8, $9.999999960e-13;
	[tilespmem:s10+$0x1D880] =	vst v9;
	vm4 =	veq.s32 v11, v4  }
.Ltmp2:
0x64: {  	vm5 =	veq.s32 v11, v5;
	v8 =	vld [tilespmem:s11+$0x1D600];
	[tilespmem:s11+$0x19000] =	vst v0;
	(erf) = vrcp.f32 v13;
	v9 =	vnsel vm4, $0x0, v10;
	(pc) =	sbr.rel @p0 .LBB2_6-.Ltmp2, $4  }
0x65: {  	v10 =	vnsel vm5, $0x0, v10;
	(erf) = vrcp.f32 v12;
	[tilespmem:s10+$0x19780] =	vst v9;
	v11 =	vand.u32 $0x7FFFFFFF, v9  }
0x66: {  	[tilespmem:s10+$0x19500] =	vst v10;
	v10 =	vand.u32 $0x7FFFFFFF, v10;
	v6 =	vmax.f32 v6, v11;
	s10 =	smov.u32 s31;
	s31 =	smov.u32 s9;
	s9 =	smov.u32 s11  }
0x67: {  	s2 =	sadd.s32 $0x10, s2;
	[tilespmem:s9+$0x19280] =	vst v0;
	v9 =	vpop (erf);
	v7 =	vmax.f32 v7, v10  }
0x68: {  	v11 =	vor.u32 s2, v1;
	[tilespmem:s10+$0x1DB00] =	vst v9;
	v10 =	vmul.f32 $-1.500000060e-01, v9;
	v9 =	vpop (erf)  }
0x69: {  	v12 =	vmax.f32 v8, $9.999999960e-13  }
0x6a: {  	(erf) = vrcp.f32 v12;
	_ =	sdelay $0x4  }
0x6b: {  	vm4 =	veq.s32 v11, v4  }
0x6c: {  	v49 =	vadd.f32 $9.999999960e-13, v8;
	vm5 =	veq.s32 v11, v5;
	s2 =	sadd.s32 $0x10, s2;
	v50 =	vnsel vm4, $0x0, v10  }
0x6d: {  	v51 =	vnsel vm5, $0x0, v10;
	v54 =	vor.u32 s2, v1;
	v52 =	vand.u32 $0x7FFFFFFF, v50;
	v13 =	vpop (erf)  }
0x6e: {  	s2 =	sadd.s32 $0x10, s2;
	v53 =	vand.u32 $0x7FFFFFFF, v51;
	vm4 =	veq.s32 v54, v4;
	v14 =	vmul.f32 $-1.500000060e-01, v13;
	v15 =	vpop (erf)  }
0x6f: {  	vm5 =	veq.s32 v54, v5;
	v16 =	vor.u32 s2, v1;
	v6 =	vmax.f32 v6, v52;
	v55 =	vpop (erf)  }
0x70: {  	v7 =	vmax.f32 v7, v53;
	v56 =	vnsel vm5, $0x0, v14;
	v17 =	vmul.f32 $-1.500000060e-01, v55  }
0x71: {  	v14 =	vnsel vm4, $0x0, v14;
	vm4 =	veq.s32 v16, v5;
	v5 =	vand.u32 $0x7FFFFFFF, v56  }
0x72: {  	vm5 =	veq.s32 v16, v4;
	v5 =	vmax.f32 v7, v5;
	v4 =	vnsel vm4, $0x0, v17  }
0x73: {  	v7 =	vand.u32 $0x7FFFFFFF, v14;
	v16 =	vnsel vm5, $0x0, v17;
	v57 =	vand.u32 $0x7FFFFFFF, v4  }
0x74: {  	v6 =	vmax.f32 v6, v7;
	v7 =	vand.u32 $0x7FFFFFFF, v16;
	v5 =	vmax.f32 v5, v57  }
0x75: {  	v6 =	vmax.f32 v6, v7;
	(xrf0) =	vmax.scan.msk.f32 $0xffff, v5  }
0x76: {  	[tilespmem:s10+$0x1D880] =	vst v9;
	(erf) = vrcp.f32 v49;
	(xrf0) =	vmax.scan.msk.f32 $0xffff, v6  }
0x77: {  	[tilespmem:s10+$0x19780] =	vst v50  }
0x78: {  	[tilespmem:s10+$0x19500] =	vst v51  }
0x79: {  	[tilespmem:s31+$0x1DB00] =	vst v13  }
0x7a: {  	[tilespmem:s31+$0x1D880] =	vst v15  }
0x7b: {  	[tilespmem:s31+$0x19780] =	vst v14;
	v5, _, _ =	vpop (xrf0)  }
0x7c: {  	[tilespmem:s31+$0x19500] =	vst v56;
	v6, _, _ =	vpop (xrf0)  }
0x7d: {  	[tilespmem:s9+$0x1DB00] =	vst v55;
	v6 =	vbroadcast v6, $0xF  }
0x7e: {  	[tilespmem:s9+$0x19780] =	vst v16;
	v5 =	vbroadcast v5, $0xF  }
0x7f: {  	[tilespmem:s9+$0x19500] =	vst v4;
	v7 =	vpop (erf);
	v6 =	vnsel vm2, $0x0, v6  }
0x80: {  	[tilespmem:s9+$0x1D880] =	vst v7;
	v4 =	vsel vm3, v6, v5  }
0x81: {  	[tilespmem:$0x1E100] =	vst v4  }
0x82: {  	[spmem:s12] =	stream.linear.scatter [tilespmem:s0], [sflag:$0x1], $0x10, $0x38;
	[tilespmem:$0x1EDB0] =	vst v63  }
0x83: {  	_ =	swait.ge [sflag:s18], $0x10  }
0x84: {  	[sflag:s18] =	ssyncset.done $0x0  }
0x85: {  	[sflag:s18] =	ssyncadd.s32 $0xFFFFFFF0  }
0x86: {  	[bflag:$0x0] =	sbarrier.arrive $0xFFFF  }
0x87: {  	[tilespmem:s4], [sflag:$0x1] =	stream.linear.gather [spmem:s3], $0x100, $0x38;
	[tilespmem:$0x1EDB0] =	vst v63  }
0x88: {  	_ =	swait.ge [sflag:s18], $0x100  }
0x89: {  	[sflag:s18] =	ssyncset.done $0x0  }
0x8a: {  	[sflag:s18] =	ssyncadd.s32 $0xFFFFFF00  }
0x8b: {  	v4 =	vld [tilespmem:$0x1E000]  }
0x8c: {  	v5 =	vld [tilespmem:$0x1E010]  }
0x8d: {  	v6 =	vld [tilespmem:$0x1E020]  }
0x8e: {  	v7 =	vld [tilespmem:$0x1E030]  }
0x8f: {  	v58 =	vld [tilespmem:$0x1E040]  }
0x90: {  	v59 =	vld [tilespmem:$0x1E050];
	v4 =	vmax.f32 v4, $0.0e+00  }
0x91: {  	v4 =	vmax.f32 v4, v5;
	v5 =	vld [tilespmem:$0x1E060]  }
0x92: {  	v4 =	vmax.f32 v4, v6;
	v6 =	vld [tilespmem:$0x1E070]  }
0x93: {  	v4 =	vmax.f32 v4, v7;
	v7 =	vld [tilespmem:$0x1E080]  }
0x94: {  	v60 =	vld [tilespmem:$0x1E090];
	v4 =	vmax.f32 v4, v58  }
0x95: {  	v61 =	vld [tilespmem:$0x1E0A0];
	v4 =	vmax.f32 v4, v59  }
0x96: {  	v4 =	vmax.f32 v4, v5;
	v5 =	vld [tilespmem:$0x1E0B0]  }
0x97: {  	v4 =	vmax.f32 v4, v6;
	v6 =	vld [tilespmem:$0x1E0C0]  }
0x98: {  	v4 =	vmax.f32 v4, v7;
	v7 =	vld [tilespmem:$0x1E0D0]  }
0x99: {  	v62 =	vld [tilespmem:$0x1E0E0];
	v4 =	vmax.f32 v4, v60  }
0x9a: {  	v63 =	vld [tilespmem:$0x1E0F0];
	v4 =	vmax.f32 v4, v61  }
0x9b: {  	v4 =	vmax.f32 v4, v5  }
0x9c: {  	v4 =	vmax.f32 v4, v6  }
0x9d: {  	v4 =	vmax.f32 v4, v7  }
0x9e: {  	v4 =	vmax.f32 v4, v62  }
0x9f: {  	v4 =	vmax.f32 v4, v63  }
0xa0: {  	s31 =	simm.s32 $0x0;
	s9 =	simm.s32 $0x0;
	[tilespmem:$0x1E100] =	vst v4  }
.LBB2_8:
0xa1: {  	s2 =	simm.s32 $0x19500  }
0xa2: {  	s10 =	simm.s32 $0x19000;
	v5 =	vld [tilespmem:s2+$0x0]  }
0xa3: {  	v6 =	vld [tilespmem:s10+$0x0];
	_ =	sdelay $0x2  }
0xa4: {  	s10 =	simm.s32 $0x1D880  }
0xa5: {  	v8 =	vmov s31;
	v9 =	vld [tilespmem:s10+$0x0];
	v7 =	vadd.f32 $1.500000070e-04, v5  }
0xa6: {  	v5 =	vsub.f32 v6, v5;
	v6 =	vshll.u32 v8, $0x3  }
0xa7: {  	v6 =	vor.u32 v2, v6;
	v7 =	vsub.f32 $0.0e+00, v7  }
0xa8: {  	vm4 =	vge.f32 v5, $1.500000070e-04  }
0xa9: {  	v5 =	vnsel vm4, $0x0, v7  }
0xaa: {  	v5 =	vmul.f32 v5, v9;
	_ =	sdelay $0x1  }
0xab: {  	s15 =	simm.s32 $0x19510;
	s11 =	simm.s32 $0x20;
	[tilespmem:v6+s1+$0x0] =	vst.idx.msk $0xffff, v5  }
0xac: {  	s16 =	simm.s32 $0x19010;
	s17 =	simm.s32 $0x1D880;
	s2 =	simm.s32 $0x10;
	v5 =	vld [tilespmem:s15+$0x0]  }
.LBB2_9:
0xad: {  	p0 =	sne.s32 s11, $0x270;
	v6 =	vld [tilespmem:s16+$0x0];
	_ =	sdelay $0x2  }
0xae: {  	s17 =	sadd.s32 $0x10, s17  }
0xaf: {  	v8 =	vmov s2;
	s2 =	smov.u32 s11;
	v7 =	vadd.f32 $1.500000070e-04, v5;
	v9 =	vld [tilespmem:s17+$0x0]  }
0xb0: {  	v5 =	vsub.f32 v6, v5;
	v6 =	vshll.u32 v8, $0x3  }
0xb1: {  	v7 =	vsub.f32 $0.0e+00, v7;
	v6 =	vor.u32 v2, v6  }
0xb2: {  	vm4 =	vge.f32 v5, $1.500000070e-04  }
.Ltmp3:
0xb3: {  	v5 =	vnsel vm4, $0x0, v7;
	(pc) =	sbr.rel @p0 .LBB2_9-.Ltmp3, $3  }
0xb4: {  	v5 =	vmul.f32 v5, v9;
	_ =	sdelay $0x1  }
0xb5: {  	s15 =	sadd.s32 $0x10, s15;
	[tilespmem:v6+s1+$0x0] =	vst.idx.msk $0xffff, v5  }
0xb6: {  	s11 =	sadd.s32 $0x10, s11;
	s16 =	sadd.s32 $0x10, s16;
	v5 =	vld [tilespmem:s15+$0x0]  }
0xb7: {  	v6 =	vld [tilespmem:s16+$0x0];
	_ =	sdelay $0x2  }
0xb8: {  	s11 =	sadd.s32 $0x10, s17  }
0xb9: {  	v8 =	vmov s2;
	v9 =	vld [tilespmem:s11+$0x0];
	v7 =	vadd.f32 $1.500000070e-04, v5  }
0xba: {  	v5 =	vsub.f32 v6, v5;
	v6 =	vshll.u32 v8, $0x3  }
0xbb: {  	v7 =	vsub.f32 $0.0e+00, v7;
	v6 =	vor.u32 v2, v6  }
0xbc: {  	vm4 =	vge.f32 v5, $1.500000070e-04  }
0xbd: {  	v5 =	vnsel vm4, $0x0, v7  }
0xbe: {  	v5 =	vmul.f32 v5, v9;
	_ =	sdelay $0x1  }
0xbf: {  	s15 =	simm.s32 $0x19780;
	[tilespmem:v6+s1+$0x0] =	vst.idx.msk $0xffff, v5  }
0xc0: {  	s16 =	simm.s32 $0x19280;
	v5 =	vld [tilespmem:s15+$0x0]  }
0xc1: {  	v6 =	vld [tilespmem:s16+$0x0];
	_ =	sdelay $0x1  }
0xc2: {  	s17 =	simm.s32 $0x0  }
0xc3: {  	v7 =	vmov s17  }
0xc4: {  	v7 =	vshll.u32 v7, $0x3;
	v63 =	vld [tilespmem:s10+$0x0];
	v62 =	vadd.f32 $1.500000070e-04, v5  }
0xc5: {  	v5 =	vsub.f32 v6, v5;
	v6 =	vor.u32 v2, v7  }
0xc6: {  	v6 =	vor.u32 $0x1, v6;
	v7 =	vsub.f32 $0.0e+00, v62  }
0xc7: {  	vm4 =	vge.f32 v5, $1.500000070e-04  }
0xc8: {  	v5 =	vnsel vm4, $0x0, v7  }
0xc9: {  	v5 =	vmul.f32 v5, v63;
	_ =	sdelay $0x1  }
0xca: {  	s15 =	simm.s32 $0x19790;
	[tilespmem:v6+s1+$0x0] =	vst.idx.msk $0xffff, v5  }
0xcb: {  	s2 =	simm.s32 $0x10;
	s17 =	simm.s32 $0x20;
	s16 =	simm.s32 $0x19290;
	v5 =	vld [tilespmem:s15+$0x0]  }
.LBB2_11:
0xcc: {  	p0 =	sne.s32 s17, $0x270;
	v6 =	vld [tilespmem:s16+$0x0];
	_ =	sdelay $0x2  }
0xcd: {  	v7 =	vmov s2;
	s10 =	sadd.s32 $0x10, s10;
	s2 =	smov.u32 s17  }
0xce: {  	v7 =	vshll.u32 v7, $0x3;
	v8 =	vadd.f32 $1.500000070e-04, v5;
	v9 =	vld [tilespmem:s10+$0x0]  }
0xcf: {  	v5 =	vsub.f32 v6, v5;
	v6 =	vor.u32 v2, v7  }
0xd0: {  	v7 =	vsub.f32 $0.0e+00, v8;
	v6 =	vor.u32 $0x1, v6  }
0xd1: {  	vm4 =	vge.f32 v5, $1.500000070e-04  }
.Ltmp4:
0xd2: {  	v5 =	vnsel vm4, $0x0, v7;
	(pc) =	sbr.rel @p0 .LBB2_11-.Ltmp4, $3  }
0xd3: {  	v5 =	vmul.f32 v5, v9;
	_ =	sdelay $0x1  }
0xd4: {  	s15 =	sadd.s32 $0x10, s15;
	[tilespmem:v6+s1+$0x0] =	vst.idx.msk $0xffff, v5  }
0xd5: {  	s17 =	sadd.s32 $0x10, s17;
	s16 =	sadd.s32 $0x10, s16;
	v5 =	vld [tilespmem:s15+$0x0]  }
0xd6: {  	(v2sf) =	vpush v4, $0x0;
	_ =	sdelay $0x1  }
0xd7: {  	v6 =	vld [tilespmem:s16+$0x0];
	_ =	sdelay $0x2  }
0xd8: {  	v7 =	vmov s2;
	s15 =	sadd.s32 $0x10, s10  }
0xd9: {  	v7 =	vshll.u32 v7, $0x3;
	v9 =	vld [tilespmem:s15+$0x0];
	v8 =	vadd.f32 $1.500000070e-04, v5  }
0xda: {  	v5 =	vsub.f32 v6, v5;
	v6 =	vor.u32 v2, v7  }
0xdb: {  	v7 =	vsub.f32 $0.0e+00, v8;
	v6 =	vor.u32 $0x1, v6  }
0xdc: {  	vm4 =	vge.f32 v5, $1.500000070e-04  }
0xdd: {  	v5 =	vnsel vm4, $0x0, v7  }
0xde: {  	v5 =	vmul.f32 v5, v9;
	_ =	sdelay $0x1  }
0xdf: {  	[tilespmem:v6+s1+$0x0] =	vst.idx.msk $0xffff, v5  }
0xe0: {  	[spmem:s13] =	stream.linear.scatter [tilespmem:s1], [sflag:$0x1], $0x1400, $0x38;
	[tilespmem:$0x1EDB0] =	vst v63  }
0xe1: {  	s15 =	spop (v2sf)  }
0xe2: {  	_ =	swait.ge [sflag:s18], $0x1400  }
0xe3: {  	[sflag:s18] =	ssyncset.done $0x0  }
0xe4: {  	[sflag:s18] =	ssyncadd.s32 $0xFFFFEC00  }
0xe5: {  	[spmem:s14] =	stream.linear.scatter [tilespmem:s21], [sflag:$0x1], $0x1400, $0x38;
	[tilespmem:$0x1EDB0] =	vst v63  }
0xe6: {  	_ =	swait.ge [sflag:s18], $0x1400  }
0xe7: {  	[sflag:s18] =	ssyncset.done $0x0  }
0xe8: {  	[sflag:s18] =	ssyncadd.s32 $0xFFFFEC00  }
0xe9: {  	[bflag:$0x0] =	sbarrier.arrive $0xFFFF  }
0xea: {  	[tilespmem:s20], [sflag:$0x1] =	stream.indirect.gather [spmem:s5], $0x2, s19, s23, $0xb8;
	[tilespmem:$0x1EDB0] =	vst v63  }
0xeb: {  	_ =	swait.ge [sflag:s18], $0x2800  }
0xec: {  	[sflag:s18] =	ssyncset.done $0x0  }
0xed: {  	s16 =	simm.s32 $0x0;
	[sflag:s18] =	ssyncadd.s32 $0xFFFFD800  }
0xee: {  	[spmem:s6] =	stream.indirect.scatter.add.f32 [tilespmem:s20], [sflag:$0x1], $0x2, s16, s23, $0xb8;
	[tilespmem:$0x1EDB0] =	vst v63  }
0xef: {  	_ =	swait.ge [sflag:s18], $0x2800  }
0xf0: {  	[sflag:s18] =	ssyncset.done $0x0  }
0xf1: {  	[sflag:s18] =	ssyncadd.s32 $0xFFFFD800  }
0xf2: {  	[tilespmem:s20], [sflag:$0x1] =	stream.indirect.gather [spmem:s5], $0x2, s22, s23, $0xb8;
	[tilespmem:$0x1EDB0] =	vst v63  }
0xf3: {  	_ =	swait.ge [sflag:s18], $0x2800  }
0xf4: {  	[sflag:s18] =	ssyncset.done $0x0  }
0xf5: {  	[sflag:s18] =	ssyncadd.s32 $0xFFFFD800  }
0xf6: {  	[spmem:s6] =	stream.indirect.scatter.add.f32 [tilespmem:s20], [sflag:$0x1], $0x2, s23, s23, $0xb8;
	[tilespmem:$0x1EDB0] =	vst v63  }
0xf7: {  	_ =	swait.ge [sflag:s18], $0x2800  }
0xf8: {  	[sflag:s18] =	ssyncset.done $0x0  }
0xf9: {  	[sflag:s18] =	ssyncadd.s32 $0xFFFFD800  }
0xfa: {  	[tilespmem:s20], [sflag:$0x1] =	stream.indirect.gather [spmem:s5], $0x2, s24, s23, $0xb8;
	[tilespmem:$0x1EDB0] =	vst v63  }
0xfb: {  	_ =	swait.ge [sflag:s18], $0x2800  }
0xfc: {  	[sflag:s18] =	ssyncset.done $0x0  }
0xfd: {  	[sflag:s18] =	ssyncadd.s32 $0xFFFFD800  }
0xfe: {  	[spmem:s6] =	stream.indirect.scatter.add.f32 [tilespmem:s20], [sflag:$0x1], $0x2, s26, s23, $0xb8;
	[tilespmem:$0x1EDB0] =	vst v63  }
0xff: {  	_ =	swait.ge [sflag:s18], $0x2800  }
0x100: {  	[sflag:s18] =	ssyncset.done $0x0  }
0x101: {  	[sflag:s18] =	ssyncadd.s32 $0xFFFFD800  }
0x102: {  	[tilespmem:s20], [sflag:$0x1] =	stream.indirect.gather [spmem:s5], $0x2, s25, s23, $0xb8;
	[tilespmem:$0x1EDB0] =	vst v63  }
0x103: {  	_ =	swait.ge [sflag:s18], $0x2800  }
0x104: {  	[sflag:s18] =	ssyncset.done $0x0  }
0x105: {  	[sflag:s18] =	ssyncadd.s32 $0xFFFFD800  }
0x106: {  	[spmem:s6] =	stream.indirect.scatter.add.f32 [tilespmem:s20], [sflag:$0x1], $0x2, s29, s23, $0xb8;
	[tilespmem:$0x1EDB0] =	vst v63  }
0x107: {  	_ =	swait.ge [sflag:s18], $0x2800  }
0x108: {  	[sflag:s18] =	ssyncset.done $0x0  }
0x109: {  	[sflag:s18] =	ssyncadd.s32 $0xFFFFD800  }
0x10a: {  	[bflag:$0x0] =	sbarrier.arrive $0xFFFF  }
0x10b: {  	[tilespmem:s28], [sflag:$0x1] =	stream.linear.gather [spmem:s14], $0x1400, $0x38;
	[tilespmem:$0x1EDB0] =	vst v63  }
0x10c: {  	_ =	swait.ge [sflag:s18], $0x1400  }
0x10d: {  	[sflag:s18] =	ssyncset.done $0x0  }
0x10e: {  	s11 =	simm.s32 $0x19000;
	[sflag:s18] =	ssyncadd.s32 $0xFFFFEC00  }
0x10f: {  	s17 =	simm.s32 $0x19500;
	v5 =	vld [tilespmem:s11+$0x0]  }
0x110: {  	s10 =	simm.s32 $0x1DB00;
	v6 =	vld [tilespmem:s17+$0x0]  }
0x111: {  	v7 =	vmov s16;
	v8 =	vld [tilespmem:s10+$0x0]  }
0x112: {  	v7 =	vshll.u32 v7, $0x3  }
0x113: {  	v7 =	vor.u32 v2, v7;
	_ =	sdelay $0x1  }
0x114: {  	v61 =	vadd.f32 $1.500000070e-04, v6  }
0x115: {  	v10 =	vsub.f32 v5, v6;
	v11 =	vsub.f32 $1.000000000e+00, v8  }
0x116: {  	v12 =	vmul.f32 $4.250000120e-01, v8;
	v9 =	vsub.f32 $0.0e+00, v61  }
0x117: {  	v7 =	vld.idx.msk [tilespmem:v7+s28+$0x0], $0xffff;
	v8 =	vmul.f32 $1.500000070e-04, v8;
	vm4 =	vge.f32 v10, $1.500000070e-04;
	v62 =	vmul.f32 v11, v6  }
0x118: {  	v9 =	vnsel vm4, $0x0, v9  }
0x119: {  	v8 =	vsub.f32 v62, v8;
	v63 =	vmul.f32 v9, v12;
	_ =	sdelay $0x1  }
0x11a: {  	v8 =	vsub.f32 v8, v63  }
0x11b: {  	v7 =	vmul.f32 v12, v7  }
0x11c: {  	p0 =	sgt.f32 s15, $1.515000040e-04;
	v9 =	vadd.f32 v9, v5;
	v8 =	vsel vm4, v8, v6  }
0x11d: {  	v7 =	vsub.f32 v8, v7  }
0x11e: {  	v5 =	vpsel p0, v9, v5  }
0x11f: {  	[tilespmem:s11+$0x0] =	vst v5;
	v6 =	vpsel p0, v7, v6  }
0x120: {  	s15 =	simm.s32 $0x19010;
	v5 =	vimm.f32 $0.0e+00;
	[tilespmem:s17+$0x0] =	vst v6;
	v7 =	vand.u32 $0x7FFFFFFF, v6  }
0x121: {  	s2 =	simm.s32 $0x20;
	s16 =	simm.s32 $0x19510;
	s17 =	simm.s32 $0x10;
	v6 =	vld [tilespmem:s15+$0x0];
	v5 =	vmax.f32 v5, v7  }
.LBB2_13:
0x122: {  	p1 =	sne.s32 s2, $0x270;
	v7 =	vld [tilespmem:s16+$0x0];
	v8 =	vmov s17;
	s10 =	sadd.s32 $0x10, s10;
	s17 =	smov.u32 s2  }
0x123: {  	v8 =	vshll.u32 v8, $0x3;
	v9 =	vld [tilespmem:s10+$0x0]  }
0x124: {  	v8 =	vor.u32 v2, v8;
	_ =	sdelay $0x2  }
0x125: {  	v10 =	vadd.f32 $1.500000070e-04, v7  }
0x126: {  	v11 =	vsub.f32 v6, v7;
	v12 =	vsub.f32 $1.000000000e+00, v9  }
0x127: {  	v13 =	vmul.f32 $4.250000120e-01, v9;
	v8 =	vld.idx.msk [tilespmem:v8+s28+$0x0], $0xffff;
	v10 =	vsub.f32 $0.0e+00, v10  }
0x128: {  	v9 =	vmul.f32 $1.500000070e-04, v9;
	vm4 =	vge.f32 v11, $1.500000070e-04;
	v11 =	vmul.f32 v12, v7  }
0x129: {  	v10 =	vnsel vm4, $0x0, v10  }
0x12a: {  	v9 =	vsub.f32 v11, v9;
	v11 =	vmul.f32 v10, v13;
	_ =	sdelay $0x1  }
0x12b: {  	v9 =	vsub.f32 v9, v11  }
0x12c: {  	v8 =	vmul.f32 v13, v8  }
0x12d: {  	v10 =	vadd.f32 v10, v6;
	v9 =	vsel vm4, v9, v7  }
.Ltmp5:
0x12e: {  	v8 =	vsub.f32 v9, v8;
	(pc) =	sbr.rel @p1 .LBB2_13-.Ltmp5, $4  }
0x12f: {  	v6 =	vpsel p0, v10, v6  }
0x130: {  	v7 =	vpsel p0, v8, v7;
	[tilespmem:s15+$0x0] =	vst v6  }
0x131: {  	s15 =	sadd.s32 $0x10, s15;
	[tilespmem:s16+$0x0] =	vst v7;
	v7 =	vand.u32 $0x7FFFFFFF, v7  }
0x132: {  	s2 =	sadd.s32 $0x10, s2;
	s16 =	sadd.s32 $0x10, s16;
	v6 =	vld [tilespmem:s15+$0x0];
	v5 =	vmax.f32 v5, v7  }
0x133: {  	v7 =	vld [tilespmem:s16+$0x0];
	s2 =	sadd.s32 $0x10, s10  }
0x134: {  	v8 =	vmov s17;
	v9 =	vld [tilespmem:s2+$0x0]  }
0x135: {  	v8 =	vshll.u32 v8, $0x3  }
0x136: {  	v8 =	vor.u32 v2, v8;
	_ =	sdelay $0x1  }
0x137: {  	v10 =	vadd.f32 $1.500000070e-04, v7  }
0x138: {  	v11 =	vsub.f32 v6, v7;
	v12 =	vsub.f32 $1.000000000e+00, v9  }
0x139: {  	v13 =	vmul.f32 $4.250000120e-01, v9;
	v10 =	vsub.f32 $0.0e+00, v10  }
0x13a: {  	v9 =	vmul.f32 $1.500000070e-04, v9;
	v8 =	vld.idx.msk [tilespmem:v8+s28+$0x0], $0xffff;
	vm4 =	vge.f32 v11, $1.500000070e-04;
	v55 =	vmul.f32 v12, v7  }
0x13b: {  	v10 =	vnsel vm4, $0x0, v10  }
0x13c: {  	v9 =	vsub.f32 v55, v9;
	v56 =	vmul.f32 v10, v13;
	_ =	sdelay $0x1  }
0x13d: {  	v9 =	vsub.f32 v9, v56  }
0x13e: {  	v8 =	vmul.f32 v13, v8  }
0x13f: {  	v10 =	vadd.f32 v10, v6;
	v9 =	vsel vm4, v9, v7  }
0x140: {  	v8 =	vsub.f32 v9, v8  }
0x141: {  	v6 =	vpsel p0, v10, v6  }
0x142: {  	[tilespmem:s15+$0x0] =	vst v6;
	v7 =	vpsel p0, v8, v7  }
0x143: {  	(v2sf) =	vpush v4, $0x1;
	[tilespmem:s16+$0x0] =	vst v7;
	s16 =	simm.s32 $0x19280  }
0x144: {  	s11 =	simm.s32 $0x0;
	s15 =	simm.s32 $0x19780;
	v4 =	vld [tilespmem:s16+$0x0]  }
0x145: {  	s10 =	simm.s32 $0x1DB00;
	v6 =	vmov s11;
	v8 =	vld [tilespmem:s15+$0x0]  }
0x146: {  	v6 =	vshll.u32 v6, $0x3;
	v57 =	vld [tilespmem:s10+$0x0]  }
0x147: {  	v6 =	vor.u32 v2, v6  }
0x148: {  	v6 =	vor.u32 $0x1, v6;
	_ =	sdelay $0x1  }
0x149: {  	v58 =	vadd.f32 $1.500000070e-04, v8  }
0x14a: {  	v59 =	vsub.f32 v4, v8;
	v60 =	vsub.f32 $1.000000000e+00, v57  }
0x14b: {  	v61 =	vmul.f32 $4.250000120e-01, v57;
	v10 =	vsub.f32 $0.0e+00, v58  }
0x14c: {  	v6 =	vld.idx.msk [tilespmem:v6+s28+$0x0], $0xffff;
	v9 =	vmul.f32 $1.500000070e-04, v57;
	vm4 =	vge.f32 v59, $1.500000070e-04;
	v62 =	vmul.f32 v60, v8  }
0x14d: {  	v10 =	vnsel vm4, $0x0, v10  }
0x14e: {  	v9 =	vsub.f32 v62, v9;
	v63 =	vmul.f32 v10, v61;
	_ =	sdelay $0x1  }
0x14f: {  	v9 =	vsub.f32 v9, v63  }
0x150: {  	s17 =	spop (v2sf);
	v6 =	vmul.f32 v61, v6  }
0x151: {  	p0 =	sgt.f32 s17, $1.515000040e-04;
	v10 =	vadd.f32 v10, v4;
	v9 =	vsel vm4, v9, v8  }
0x152: {  	v6 =	vsub.f32 v9, v6  }
0x153: {  	v4 =	vpsel p0, v10, v4  }
0x154: {  	v7 =	vand.u32 $0x7FFFFFFF, v7;
	[tilespmem:s16+$0x0] =	vst v4;
	v6 =	vpsel p0, v6, v8  }
0x155: {  	s2 =	simm.s32 $0x20;
	s17 =	simm.s32 $0x10;
	v4 =	vmax.f32 v5, v7;
	v5 =	vimm.f32 $0.0e+00;
	s16 =	simm.s32 $0x19290;
	[tilespmem:s15+$0x0] =	vst v6;
	v6 =	vand.u32 $0x7FFFFFFF, v6  }
.LBB2_15:
0x156: {  	p1 =	sne.s32 s2, $0x270;
	v7 =	vld [tilespmem:s16+$0x0];
	v8 =	vmov s17;
	v5 =	vmax.f32 v5, v6;
	s15 =	sadd.s32 $0x10, s15;
	s17 =	smov.u32 s2  }
0x157: {  	s10 =	sadd.s32 $0x10, s10;
	v6 =	vld [tilespmem:s15+$0x0];
	v8 =	vshll.u32 v8, $0x3  }
0x158: {  	v8 =	vor.u32 v2, v8;
	v9 =	vld [tilespmem:s10+$0x0]  }
0x159: {  	v8 =	vor.u32 $0x1, v8;
	_ =	sdelay $0x2  }
0x15a: {  	v10 =	vadd.f32 $1.500000070e-04, v6  }
0x15b: {  	v11 =	vsub.f32 v7, v6;
	v12 =	vsub.f32 $1.000000000e+00, v9  }
0x15c: {  	v13 =	vmul.f32 $4.250000120e-01, v9;
	v8 =	vld.idx.msk [tilespmem:v8+s28+$0x0], $0xffff;
	v10 =	vsub.f32 $0.0e+00, v10  }
0x15d: {  	v9 =	vmul.f32 $1.500000070e-04, v9;
	vm4 =	vge.f32 v11, $1.500000070e-04;
	v11 =	vmul.f32 v12, v6  }
0x15e: {  	v10 =	vnsel vm4, $0x0, v10  }
0x15f: {  	v9 =	vsub.f32 v11, v9;
	v11 =	vmul.f32 v10, v13;
	_ =	sdelay $0x1  }
0x160: {  	v9 =	vsub.f32 v9, v11  }
0x161: {  	v8 =	vmul.f32 v13, v8  }
.Ltmp6:
0x162: {  	v10 =	vadd.f32 v10, v7;
	v9 =	vsel vm4, v9, v6;
	(pc) =	sbr.rel @p1 .LBB2_15-.Ltmp6, $4  }
0x163: {  	v8 =	vsub.f32 v9, v8  }
0x164: {  	v7 =	vpsel p0, v10, v7  }
0x165: {  	v6 =	vpsel p0, v8, v6;
	[tilespmem:s16+$0x0] =	vst v7  }
0x166: {  	s2 =	sadd.s32 $0x10, s2;
	s16 =	sadd.s32 $0x10, s16;
	[tilespmem:s15+$0x0] =	vst v6;
	v6 =	vand.u32 $0x7FFFFFFF, v6  }
0x167: {  	v7 =	vld [tilespmem:s16+$0x0];
	s2 =	sadd.s32 $0x10, s15  }
0x168: {  	v8 =	vmov s17;
	s10 =	sadd.s32 $0x10, s10;
	v9 =	vld [tilespmem:s2+$0x0]  }
0x169: {  	v8 =	vshll.u32 v8, $0x3;
	v10 =	vld [tilespmem:s10+$0x0]  }
0x16a: {  	v8 =	vor.u32 v2, v8  }
0x16b: {  	v8 =	vor.u32 $0x1, v8;
	_ =	sdelay $0x1  }
0x16c: {  	v11 =	vadd.f32 $1.500000070e-04, v9  }
0x16d: {  	v12 =	vsub.f32 v7, v9;
	v13 =	vsub.f32 $1.000000000e+00, v10  }
0x16e: {  	v14 =	vmul.f32 $4.250000120e-01, v10;
	v11 =	vsub.f32 $0.0e+00, v11  }
0x16f: {  	v10 =	vmul.f32 $1.500000070e-04, v10;
	vm4 =	vge.f32 v12, $1.500000070e-04;
	v8 =	vld.idx.msk [tilespmem:v8+s28+$0x0], $0xffff;
	v56 =	vmul.f32 v13, v9  }
0x170: {  	v11 =	vnsel vm4, $0x0, v11  }
0x171: {  	v10 =	vsub.f32 v56, v10;
	v57 =	vmul.f32 v11, v14;
	_ =	sdelay $0x1  }
0x172: {  	v10 =	vsub.f32 v10, v57  }
0x173: {  	v8 =	vmul.f32 v14, v8  }
0x174: {  	v10 =	vsel vm4, v10, v9  }
0x175: {  	v8 =	vsub.f32 v10, v8;
	_ =	sdelay $0x1  }
0x176: {  	v8 =	vpsel p0, v8, v9  }
0x177: {  	v5 =	vmax.f32 v5, v6;
	v6 =	vand.u32 $0x7FFFFFFF, v8  }
0x178: {  	(xrf0) =	vmax.scan.msk.f32 $0xffff, v4;
	v5 =	vmax.f32 v5, v6  }
0x179: {  	(xrf0) =	vmax.scan.msk.f32 $0xffff, v5;
	_ =	sdelay $0x4  }
0x17a: {  	v4, _, _ =	vpop (xrf0)  }
0x17b: {  	v5 =	vadd.f32 v11, v7;
	v6, _, _ =	vpop (xrf0)  }
0x17c: {  	v6 =	vbroadcast v6, $0xF  }
0x17d: {  	v4 =	vbroadcast v4, $0xF;
	v5 =	vpsel p0, v5, v7  }
0x17e: {  	[tilespmem:s16+$0x0] =	vst v5;
	v5 =	vnsel vm2, $0x0, v6  }
0x17f: {  	[tilespmem:s2+$0x0] =	vst v8;
	v4 =	vsel vm3, v5, v4  }
0x180: {  	[tilespmem:$0x1E100] =	vst v4  }
0x181: {  	[spmem:s12] =	stream.linear.scatter [tilespmem:s0], [sflag:$0x1], $0x10, $0x38;
	[tilespmem:$0x1EDB0] =	vst v63  }
0x182: {  	_ =	swait.ge [sflag:s18], $0x10  }
0x183: {  	[sflag:s18] =	ssyncset.done $0x0  }
0x184: {  	[sflag:s18] =	ssyncadd.s32 $0xFFFFFFF0  }
0x185: {  	[bflag:$0x0] =	sbarrier.arrive $0xFFFF  }
0x186: {  	[tilespmem:s4], [sflag:$0x1] =	stream.linear.gather [spmem:s3], $0x100, $0x38;
	[tilespmem:$0x1EDB0] =	vst v63  }
0x187: {  	_ =	swait.ge [sflag:s18], $0x100  }
0x188: {  	[sflag:s18] =	ssyncset.done $0x0  }
0x189: {  	[sflag:s18] =	ssyncadd.s32 $0xFFFFFF00  }
0x18a: {  	v4 =	vld [tilespmem:$0x1E000]  }
0x18b: {  	v5 =	vld [tilespmem:$0x1E010]  }
0x18c: {  	v6 =	vld [tilespmem:$0x1E020]  }
0x18d: {  	v7 =	vld [tilespmem:$0x1E030]  }
0x18e: {  	v58 =	vld [tilespmem:$0x1E040]  }
0x18f: {  	v59 =	vld [tilespmem:$0x1E050];
	v4 =	vmax.f32 v4, $0.0e+00  }
0x190: {  	v4 =	vmax.f32 v4, v5;
	v5 =	vld [tilespmem:$0x1E060]  }
0x191: {  	v4 =	vmax.f32 v4, v6;
	v6 =	vld [tilespmem:$0x1E070]  }
0x192: {  	v4 =	vmax.f32 v4, v7;
	v7 =	vld [tilespmem:$0x1E080]  }
0x193: {  	v60 =	vld [tilespmem:$0x1E090];
	v4 =	vmax.f32 v4, v58  }
0x194: {  	v61 =	vld [tilespmem:$0x1E0A0];
	v4 =	vmax.f32 v4, v59  }
0x195: {  	v4 =	vmax.f32 v4, v5;
	v5 =	vld [tilespmem:$0x1E0B0]  }
0x196: {  	v4 =	vmax.f32 v4, v6;
	v6 =	vld [tilespmem:$0x1E0C0]  }
0x197: {  	v4 =	vmax.f32 v4, v7;
	v7 =	vld [tilespmem:$0x1E0D0]  }
0x198: {  	v62 =	vld [tilespmem:$0x1E0E0];
	v4 =	vmax.f32 v4, v60  }
0x199: {  	s9 =	sadd.s32 $0x1, s9;
	v63 =	vld [tilespmem:$0x1E0F0];
	v4 =	vmax.f32 v4, v61  }
0x19a: {  	p0 =	sne.s32 s9, $0x1E;
	v4 =	vmax.f32 v4, v5  }
.Ltmp7:
0x19b: {  	v4 =	vmax.f32 v4, v6;
	(pc) =	sbr.rel @p0 .LBB2_8-.Ltmp7, $4  }
0x19c: {  	v4 =	vmax.f32 v4, v7  }
0x19d: {  	v4 =	vmax.f32 v4, v62  }
0x19e: {  	v4 =	vmax.f32 v4, v63  }
0x19f: {  	[tilespmem:$0x1E100] =	vst v4  }
0x1a0: {  	s2 =	rddreg [dreg:$0xa];
	s9 =	simm.s32 $0x19000  }
0x1a1: {  	[hbm4b:s2+s7] =	stream.linear.scatter [tilespmem:s9], [sflag:$0x1], $0x280, $0x38;
	[tilespmem:$0x1EDB0] =	vst v63  }
0x1a2: {  	_ =	swait.ge [sflag:s18], $0x280  }
0x1a3: {  	[sflag:s18] =	ssyncset.done $0x0  }
0x1a4: {  	s17 =	simm.s32 $0x19280;
	s16 =	rddreg [dreg:$0xb];
	[sflag:s18] =	ssyncadd.s32 $0xFFFFFD80  }
0x1a5: {  	[hbm4b:s16+s7] =	stream.linear.scatter [tilespmem:s17], [sflag:$0x1], $0x280, $0x38;
	[tilespmem:$0x1EDB0] =	vst v63  }
0x1a6: {  	_ =	swait.ge [sflag:s18], $0x280  }
0x1a7: {  	s30 =	sadd.s32 $0x1, s30;
	s31 =	rddreg [dreg:$0xc]  }
0x1a8: {  	p0 =	sne.s32 s30, s31  }
.Ltmp8:
0x1a9: {  	_ = 	snop;
	(pc) =	sbr.rel @p0 .LBB2_1-.Ltmp8, $3  }
0x1aa: {  	_ =	sdelay $0x1  }
0x1ab: {  	[sflag:s18] =	ssyncset.done $0x0  }
0x1ac: {  	[sflag:s18] =	ssyncadd.s32 $0xFFFFFD80  }
0x1ad: {  	_ =	sfence.sel $0x180000  }
0x1ae: {  	[bflag:$0x0] =	sbarrier.arrive $0xFFFF  }
0x1af: {  	_ =	strace $0x90000047  }
0x1b0: {  	s0 =	stileid.u32;
	[bflag:$0x2] =	sbarrier.arrive $0xFFFF  }
0x1b1: {  	p0 =	sne.s32 s0, $0x0;
	s0 =	rddreg [dreg:$0x6]  }
0x1b2: {  	s0 =	sadd.s32 @!p0 $0x100000, s0  }
0x1b3: {  	[sflag:s0] =	ssyncadd.tile.s32 @!p0 $0x1;
	_ =	shalt  }
.Lfunc_end2:
_tile_overlayer_lowered:
.L_overlay_start_2:
0x1b4: {  	(tag) =	ssettag $0x2  }
0x1b5: {  	s0 =	rddreg [dreg:$0x0];
	s2 =	stileid.u32  }
0x1b6: {  	s1 =	rddreg [dreg:$0x1];
	p0 =	sne.s32 s2, $0x0  }
0x1b7: {  	s3 =	rddreg [dreg:$0x2];
	[bflag:$0x3] =	sbarrier.arrive $0xFFFF;
	s2 =	simm.s32 @!p0 $0x1C01  }
0x1b8: {  	[timem:s3], [sflag:s2] =	dma.local @!p0 [hbm:s0], s1  }
0x1b9: {  	s0 =	simm.s32 @!p0 $0x1  }
0x1ba: {  	_ =	swait.ge @!p0 [sflag:s0], s1  }
0x1bb: {  	s1 =	ssub.s32 @!p0 $0x0, s1;
	[sflag:s0] =	ssyncset.done @!p0 $0x0  }
0x1bc: {  	[sflag:s0] =	ssyncadd.s32 @!p0 s1  }
0x1bd: {  	[bflag:$0x3] =	sbarrier.arrive $0xFFFF  }
0x1be: {  	_ =	shalt  }

</sc_bundles>
